<compile_context>
chip_gen: v7x
topology: tpu7x:2x2x1
jax: 0.10.2.dev20260603
libtpu: 0.0.44.dev20260713+nightly
codegen_flags: <defaults>
</compile_context>

<pallas_src>
import jax
import jax.numpy as jnp
from jax import lax
from jax.experimental import pallas as pl
from jax.experimental.pallas import tpu as pltpu
from jax.experimental.pallas import tpu_sc as plsc

B = 4096
C = 1000
N_NODES = 999
S = 2 * N_NODES
NP = 1024
M = 10000

NC = 2
NS = 16
NW = NC * NS
C_PAD = 1024
ROWS = C_PAD // NW
SLAB = ROWS * NP
M_PAD = M + 16


def _sc_body(ci_hbm, si_hbm, out0_hbm, out1_hbm, slab0, slab1, ci_v, si_v):
  core = lax.axis_index("c")
  tid = lax.axis_index("s")
  wid = core * NS + tid

  pltpu.sync_copy(ci_hbm.at[pl.ds(0, M)], ci_v.at[pl.ds(0, M)])
  pltpu.sync_copy(si_hbm.at[pl.ds(0, M)], si_v.at[pl.ds(0, M)])

  zero = jnp.zeros((16,), jnp.float32)

  def zfill(j, _):
    slab0[pl.ds(j * 16, 16)] = zero
    slab1[pl.ds(j * 16, 16)] = zero
    return _

  lax.fori_loop(0, SLAB // 16, zfill, 0, unroll=8)

  row_base = wid * ROWS
  lane = lax.iota(jnp.int32, 16)
  ones = jnp.ones((16,), jnp.float32)
  zkey = jnp.zeros((16,), jnp.int32)

  def acc(i, _):
    ci = ci_v[pl.ds(i * 16, 16)]
    si = si_v[pl.ds(i * 16, 16)]
    local = ci - row_base
    ok = (local >= 0) & (local < ROWS) & (lane + i * 16 < M)
    odd = (si & 1) == 1
    key = local * NP + (si >> 1)
    key0 = jnp.where(ok & ~odd, key, zkey)
    key1 = jnp.where(ok & odd, key, zkey)
    plsc.addupdate_scatter(slab0, [key0], ones, mask=ok & ~odd)
    plsc.addupdate_scatter(slab1, [key1], ones, mask=ok & odd)
    return _

  lax.fori_loop(0, M_PAD // 16, acc, 0, unroll=4)

  pltpu.sync_copy(slab0, out0_hbm.at[pl.ds(wid * SLAB, SLAB)])
  pltpu.sync_copy(slab1, out1_hbm.at[pl.ds(wid * SLAB, SLAB)])


def _build_a(class_index, segment_ids):
  mesh = plsc.VectorSubcoreMesh(core_axis_name="c", subcore_axis_name="s")
  fn = pl.kernel(
      _sc_body,
      out_type=[
          jax.ShapeDtypeStruct((C_PAD * NP,), jnp.float32),
          jax.ShapeDtypeStruct((C_PAD * NP,), jnp.float32),
      ],
      mesh=mesh,
      compiler_params=pltpu.CompilerParams(needs_layout_passes=False),
      scratch_types=[
          pltpu.VMEM((SLAB,), jnp.float32),
          pltpu.VMEM((SLAB,), jnp.float32),
          pltpu.VMEM((M_PAD,), jnp.int32),
          pltpu.VMEM((M_PAD,), jnp.int32),
      ],
  )
  a0, a1 = fn(class_index, segment_ids)
  return a0.reshape(C_PAD, NP), a1.reshape(C_PAD, NP)


BM = 256


def _hi_lo(v):
  hi = v.astype(jnp.bfloat16)
  lo = (v - hi.astype(jnp.float32)).astype(jnp.bfloat16)
  return hi, lo


def _tc_body(x_ref, a0_ref, a1_ref,
             logits_ref, probs_ref, preds_ref,
             inv0_ref, inv1_ref, a0b_ref, a1b_ref, e0_ref, e1_ref):
  i = pl.program_id(0)

  @pl.when(i == 0)
  def _():
    inv0_ref[...] = 1.0 / jnp.maximum(
        jnp.sum(a0_ref[...], axis=0, keepdims=True), 1.0)
    inv1_ref[...] = 1.0 / jnp.maximum(
        jnp.sum(a1_ref[...], axis=0, keepdims=True), 1.0)
    a0b_ref[...] = a0_ref[...].astype(jnp.bfloat16)
    a1b_ref[...] = a1_ref[...].astype(jnp.bfloat16)
    rchunk = 128
    for r0 in range(0, NP, rchunk):
      col = lax.broadcasted_iota(jnp.int32, (rchunk, 2 * NP), 1)
      row = lax.broadcasted_iota(jnp.int32, (rchunk, 2 * NP), 0) + r0
      e0_ref[r0:r0 + rchunk, :] = (col == 2 * row).astype(jnp.bfloat16)
      e1_ref[r0:r0 + rchunk, :] = (col == 2 * row + 1).astype(jnp.bfloat16)

  xh, xw = _hi_lo(x_ref[...])
  a0 = a0b_ref[...]
  a1 = a1b_ref[...]

  def mm(h, w, a):
    r = jnp.dot(h, a, preferred_element_type=jnp.float32)
    return r + jnp.dot(w, a, preferred_element_type=jnp.float32)

  l0 = mm(xh, xw, a0) * inv0_ref[...]
  l1 = mm(xh, xw, a1) * inv1_ref[...]

  preds_ref[...] = jnp.where(l1 > l0, 1, 0)[:, :N_NODES]

  m = jnp.maximum(l0, l1)
  e0 = jnp.exp(l0 - m)
  e1 = jnp.exp(l1 - m)
  d = 1.0 / (e0 + e1)
  p0 = e0 * d
  p1 = e1 * d

  e0m = e0_ref[...]
  e1m = e1_ref[...]

  def interleave(v0, v1):
    h0, w0 = _hi_lo(v0)
    h1, w1 = _hi_lo(v1)
    acc = jnp.dot(h0, e0m, preferred_element_type=jnp.float32)
    acc += jnp.dot(w0, e0m, preferred_element_type=jnp.float32)
    acc += jnp.dot(h1, e1m, preferred_element_type=jnp.float32)
    acc += jnp.dot(w1, e1m, preferred_element_type=jnp.float32)
    return acc

  logits_ref[...] = interleave(l0, l1)[:, :S]
  probs_ref[...] = interleave(p0, p1)[:, :S]


def _decide(outputs, a0, a1):
  grid = (B // BM,)
  return pl.pallas_call(
      _tc_body,
      grid=grid,
      in_specs=[
          pl.BlockSpec((BM, C), lambda i: (i, 0)),
          pl.BlockSpec((C, NP), lambda i: (0, 0)),
          pl.BlockSpec((C, NP), lambda i: (0, 0)),
      ],
      out_specs=[
          pl.BlockSpec((BM, S), lambda i: (i, 0)),
          pl.BlockSpec((BM, S), lambda i: (i, 0)),
          pl.BlockSpec((BM, N_NODES), lambda i: (i, 0)),
      ],
      out_shape=[
          jax.ShapeDtypeStruct((B, S), jnp.float32),
          jax.ShapeDtypeStruct((B, S), jnp.float32),
          jax.ShapeDtypeStruct((B, N_NODES), jnp.int32),
      ],
      scratch_shapes=[
          pltpu.VMEM((1, NP), jnp.float32),
          pltpu.VMEM((1, NP), jnp.float32),
          pltpu.VMEM((C, NP), jnp.bfloat16),
          pltpu.VMEM((C, NP), jnp.bfloat16),
          pltpu.VMEM((NP, 2 * NP), jnp.bfloat16),
          pltpu.VMEM((NP, 2 * NP), jnp.bfloat16),
      ],
      compiler_params=pltpu.CompilerParams(
          vmem_limit_bytes=56 * 1024 * 1024),
  )(outputs, a0, a1)


@jax.jit
def kernel(outputs, class_index, segment_ids):
  a0, a1 = _build_a(class_index, segment_ids)
  logits_flat, probs_flat, preds = _decide(outputs, a0, a1)
  node_logits = logits_flat.reshape(B, N_NODES, 2)
  probs = probs_flat.reshape(B, N_NODES, 2)
  return node_logits, preds, probs

# --- scband reference (transcript-rebuilt; emitter-appended) ---
"""Pipeline reference for scband-embedded-decision-rules-46454366273666 (READ-ONLY COPY).

The authoritative reference and input builder live on the scoring server;
editing this copy changes nothing except your own understanding.
"""

import jax, jax.numpy as jnp
import numpy as np

# EmbeddedDecisionRules core: for each internal node of a decision tree over
# C leaf classes, node_logits[:, new_label] = mean over old classes mapped to
# that (node, new_label) child. This is a column-gather + segment-mean over the
# class dimension, followed by per-node argmax (preds) and softmax (probs).
# We model an ImageNet-1000 tree: C=1000 classes, N_NODES=999 internal nodes
# (binary), S = 2*N_NODES child segments, M total (class -> segment) mapping
# entries (each class appears in every ancestor node, ~C*log2(C) entries).

B = 4096        # batch of network outputs
C = 1000        # number of leaf classes
N_NODES = 999   # internal binary-tree nodes
S = 2 * N_NODES # total child segments (2 per node)
M = 10000       # total old-class -> (node, child) mapping entries


def setup_inputs(seed: int = 0) -> dict:
    key = jax.random.key(seed)
    k1, k2, k3 = jax.random.split(key, 3)
    outputs = jax.random.normal(k1, (B, C), dtype=jnp.float32)
    class_index = jax.random.randint(k2, (M,), 0, C, dtype=jnp.int32)
    segment_ids = jnp.sort(jax.random.randint(k3, (M,), 0, S, dtype=jnp.int32))
    return {"outputs": outputs, "class_index": class_index, "segment_ids": segment_ids}


def reference(outputs, class_index, segment_ids):
    # gather columns of outputs.T for every mapping entry: [M, B]
    gathered = jnp.take(outputs, class_index, axis=1).T
    # segment-sum over mapping entries -> per (node, child) sums: [S, B]
    sums = jax.ops.segment_sum(gathered, segment_ids, num_segments=S)
    counts = jnp.bincount(segment_ids, length=S)
    counts = jnp.maximum(counts, 1).astype(jnp.float32)
    means = sums / counts[:, None]                    # segment mean, [S, B]
    node_logits = means.T.reshape(B, N_NODES, 2)      # per-node child logits
    preds = jnp.argmax(node_logits, axis=2)           # hard decision per node
    probs = jax.nn.softmax(node_logits, axis=2)       # soft decision per node
    return node_logits, preds, probs

if __name__ == "__main__":
    import jax
    _d = setup_inputs()
    print(jax.jit(kernel)(*tuple(_d.values())))

</pallas_src>

<mosaic_0001>
#map = affine_map<(d0, d1) -> (0)>
module attributes {stable_mosaic.version = 14 : i64} {
  func.func @_sc_body(%arg0: i32, %arg1: i32, %arg2: memref<10000xi32, #tpu.memory_space<hbm>>, %arg3: memref<10000xi32, #tpu.memory_space<hbm>>, %arg4: memref<1048576xf32, #tpu.memory_space<hbm>>, %arg5: memref<1048576xf32, #tpu.memory_space<hbm>>, %arg6: memref<32768xf32, #tpu.memory_space<vmem>>, %arg7: memref<32768xf32, #tpu.memory_space<vmem>>, %arg8: memref<10016xi32, #tpu.memory_space<vmem>>, %arg9: memref<10016xi32, #tpu.memory_space<vmem>>) attributes {dimension_semantics = [#tpu.dimension_semantics<core_parallel>, #tpu.dimension_semantics<subcore_parallel>], iteration_bounds = array<i64: 2, 16>, scalar_prefetch = 0 : i64, scratch_operands = 4 : i64, tpu.core_type = #tpu.core_type<sc_vector_subcore>, window_params = [{transform_indices = #map}, {transform_indices = #map}, {transform_indices = #map}, {transform_indices = #map}]} {
    %mul3A = arith.constant 16 : i32
    %mul3A_0 = arith.muli %arg0, %mul3A : i32
    %add3A = arith.addi %mul3A_0, %arg1 : i32
    "tpu.region"() ({
      %run_scoped3A = tpu.sem_alloc : memref<!tpu.dma_semaphore, #tpu.memory_space<semaphore_mem>>
      %dma_start3A = arith.constant 0 : i32
      %dma_start3A_114 = tpu.memref_slice %arg8[%dma_start3A] : memref<10016xi32, #tpu.memory_space<vmem>> -> memref<10000xi32, #tpu.memory_space<vmem>>
      %dma_start3A_115 = arith.constant 0 : i32
      %dma_start3A_116 = tpu.memref_slice %arg2[%dma_start3A_115] : memref<10000xi32, #tpu.memory_space<hbm>> -> memref<10000xi32, #tpu.memory_space<hbm>>
      %dma_start3A_117 = arith.constant 0 : i32
      %dma_start3A_118 = tpu.memref_slice %arg8[%dma_start3A_117] : memref<10016xi32, #tpu.memory_space<vmem>> -> memref<10000xi32, #tpu.memory_space<vmem>>
      %dma_start3A_119 = arith.constant 0 : i32
      %dma_start3A_120 = tpu.memref_slice %arg2[%dma_start3A_119] : memref<10000xi32, #tpu.memory_space<hbm>> -> memref<10000xi32, #tpu.memory_space<hbm>>
      tpu.enqueue_dma source(%dma_start3A_120 : memref<10000xi32, #tpu.memory_space<hbm>>) target(%dma_start3A_118 : memref<10000xi32, #tpu.memory_space<vmem>>) target_semaphore(%run_scoped3A : memref<!tpu.dma_semaphore, #tpu.memory_space<semaphore_mem>>)
      %dma_wait3A = arith.constant 0 : i32
      %dma_wait3A_121 = tpu.memref_slice %arg8[%dma_wait3A] : memref<10016xi32, #tpu.memory_space<vmem>> -> memref<10000xi32, #tpu.memory_space<vmem>>
      %dma_wait3A_122 = arith.constant 0 : i32
      %dma_wait3A_123 = tpu.memref_slice %arg2[%dma_wait3A_122] : memref<10000xi32, #tpu.memory_space<hbm>> -> memref<10000xi32, #tpu.memory_space<hbm>>
      %dma_wait3A_124 = arith.constant 0 : i32
      %dma_wait3A_125 = tpu.memref_slice %arg8[%dma_wait3A_124] : memref<10016xi32, #tpu.memory_space<vmem>> -> memref<10000xi32, #tpu.memory_space<vmem>>
      %dma_wait3A_126 = arith.constant 0 : i32
      %dma_wait3A_127 = tpu.memref_slice %arg2[%dma_wait3A_126] : memref<10000xi32, #tpu.memory_space<hbm>> -> memref<10000xi32, #tpu.memory_space<hbm>>
      tpu.wait_dma2 semaphore(%run_scoped3A : memref<!tpu.dma_semaphore, #tpu.memory_space<semaphore_mem>>) src(%dma_wait3A_127 : memref<10000xi32, #tpu.memory_space<hbm>>) dst(%dma_wait3A_125 : memref<10000xi32, #tpu.memory_space<vmem>>)
      tpu.yield
    }) : () -> ()
    "tpu.region"() ({
      %run_scoped3A = tpu.sem_alloc : memref<!tpu.dma_semaphore, #tpu.memory_space<semaphore_mem>>
      %dma_start3A = arith.constant 0 : i32
      %dma_start3A_114 = tpu.memref_slice %arg9[%dma_start3A] : memref<10016xi32, #tpu.memory_space<vmem>> -> memref<10000xi32, #tpu.memory_space<vmem>>
      %dma_start3A_115 = arith.constant 0 : i32
      %dma_start3A_116 = tpu.memref_slice %arg3[%dma_start3A_115] : memref<10000xi32, #tpu.memory_space<hbm>> -> memref<10000xi32, #tpu.memory_space<hbm>>
      %dma_start3A_117 = arith.constant 0 : i32
      %dma_start3A_118 = tpu.memref_slice %arg9[%dma_start3A_117] : memref<10016xi32, #tpu.memory_space<vmem>> -> memref<10000xi32, #tpu.memory_space<vmem>>
      %dma_start3A_119 = arith.constant 0 : i32
      %dma_start3A_120 = tpu.memref_slice %arg3[%dma_start3A_119] : memref<10000xi32, #tpu.memory_space<hbm>> -> memref<10000xi32, #tpu.memory_space<hbm>>
      tpu.enqueue_dma source(%dma_start3A_120 : memref<10000xi32, #tpu.memory_space<hbm>>) target(%dma_start3A_118 : memref<10000xi32, #tpu.memory_space<vmem>>) target_semaphore(%run_scoped3A : memref<!tpu.dma_semaphore, #tpu.memory_space<semaphore_mem>>)
      %dma_wait3A = arith.constant 0 : i32
      %dma_wait3A_121 = tpu.memref_slice %arg9[%dma_wait3A] : memref<10016xi32, #tpu.memory_space<vmem>> -> memref<10000xi32, #tpu.memory_space<vmem>>
      %dma_wait3A_122 = arith.constant 0 : i32
      %dma_wait3A_123 = tpu.memref_slice %arg3[%dma_wait3A_122] : memref<10000xi32, #tpu.memory_space<hbm>> -> memref<10000xi32, #tpu.memory_space<hbm>>
      %dma_wait3A_124 = arith.constant 0 : i32
      %dma_wait3A_125 = tpu.memref_slice %arg9[%dma_wait3A_124] : memref<10016xi32, #tpu.memory_space<vmem>> -> memref<10000xi32, #tpu.memory_space<vmem>>
      %dma_wait3A_126 = arith.constant 0 : i32
      %dma_wait3A_127 = tpu.memref_slice %arg3[%dma_wait3A_126] : memref<10000xi32, #tpu.memory_space<hbm>> -> memref<10000xi32, #tpu.memory_space<hbm>>
      tpu.wait_dma2 semaphore(%run_scoped3A : memref<!tpu.dma_semaphore, #tpu.memory_space<semaphore_mem>>) src(%dma_wait3A_127 : memref<10000xi32, #tpu.memory_space<hbm>>) dst(%dma_wait3A_125 : memref<10000xi32, #tpu.memory_space<vmem>>)
      tpu.yield
    }) : () -> ()
    %broadcast_in_dim3A = arith.constant 0.000000e+00 : f32
    %broadcast_in_dim3A_1 = vector.broadcast %broadcast_in_dim3A : f32 to vector<16xf32>
    %scan3A = arith.constant 0 : i32
    %scan3A_2 = arith.constant 0 : i32
    %scan3A_3 = arith.constant 2048 : i32
    %scan3A_4 = arith.addi %scan3A_2, %scan3A_3 : i32
    %scan3A_5 = arith.constant 8 : i32
    scf.for %scan3A_114 = %scan3A_2 to %scan3A_4 step %scan3A_5  : i32 {
      %mul3A_115 = arith.constant 16 : i32
      %mul3A_116 = arith.muli %scan3A_114, %mul3A_115 : i32
      %swap3A = arith.index_cast %mul3A_116 : i32 to index
      %swap3A_117 = tpu.vector_load %arg6[%swap3A] {strides = array<i32>} : memref<32768xf32, #tpu.memory_space<vmem>>, vector<16xf32>,
      tpu.vector_store %arg6[%swap3A], %broadcast_in_dim3A_1 {strides = array<i32>} : memref<32768xf32, #tpu.memory_space<vmem>>, vector<16xf32>,
      %mul3A_118 = arith.constant 16 : i32
      %mul3A_119 = arith.muli %scan3A_114, %mul3A_118 : i32
      %swap3A_120 = arith.index_cast %mul3A_119 : i32 to index
      %swap3A_121 = tpu.vector_load %arg7[%swap3A_120] {strides = array<i32>} : memref<32768xf32, #tpu.memory_space<vmem>>, vector<16xf32>,
      tpu.vector_store %arg7[%swap3A_120], %broadcast_in_dim3A_1 {strides = array<i32>} : memref<32768xf32, #tpu.memory_space<vmem>>, vector<16xf32>,
      %scan3A_122 = arith.constant 1 : i32
      %scan3A_123 = arith.addi %scan3A_114, %scan3A_122 : i32
      %mul3A_124 = arith.constant 16 : i32
      %mul3A_125 = arith.muli %scan3A_123, %mul3A_124 : i32
      %swap3A_126 = arith.index_cast %mul3A_125 : i32 to index
      %swap3A_127 = tpu.vector_load %arg6[%swap3A_126] {strides = array<i32>} : memref<32768xf32, #tpu.memory_space<vmem>>, vector<16xf32>,
      tpu.vector_store %arg6[%swap3A_126], %broadcast_in_dim3A_1 {strides = array<i32>} : memref<32768xf32, #tpu.memory_space<vmem>>, vector<16xf32>,
      %mul3A_128 = arith.constant 16 : i32
      %mul3A_129 = arith.muli %scan3A_123, %mul3A_128 : i32
      %swap3A_130 = arith.index_cast %mul3A_129 : i32 to index
      %swap3A_131 = tpu.vector_load %arg7[%swap3A_130] {strides = array<i32>} : memref<32768xf32, #tpu.memory_space<vmem>>, vector<16xf32>,
      tpu.vector_store %arg7[%swap3A_130], %broadcast_in_dim3A_1 {strides = array<i32>} : memref<32768xf32, #tpu.memory_space<vmem>>, vector<16xf32>,
      %scan3A_132 = arith.constant 2 : i32
      %scan3A_133 = arith.addi %scan3A_114, %scan3A_132 : i32
      %mul3A_134 = arith.constant 16 : i32
      %mul3A_135 = arith.muli %scan3A_133, %mul3A_134 : i32
      %swap3A_136 = arith.index_cast %mul3A_135 : i32 to index
      %swap3A_137 = tpu.vector_load %arg6[%swap3A_136] {strides = array<i32>} : memref<32768xf32, #tpu.memory_space<vmem>>, vector<16xf32>,
      tpu.vector_store %arg6[%swap3A_136], %broadcast_in_dim3A_1 {strides = array<i32>} : memref<32768xf32, #tpu.memory_space<vmem>>, vector<16xf32>,
      %mul3A_138 = arith.constant 16 : i32
      %mul3A_139 = arith.muli %scan3A_133, %mul3A_138 : i32
      %swap3A_140 = arith.index_cast %mul3A_139 : i32 to index
      %swap3A_141 = tpu.vector_load %arg7[%swap3A_140] {strides = array<i32>} : memref<32768xf32, #tpu.memory_space<vmem>>, vector<16xf32>,
      tpu.vector_store %arg7[%swap3A_140], %broadcast_in_dim3A_1 {strides = array<i32>} : memref<32768xf32, #tpu.memory_space<vmem>>, vector<16xf32>,
      %scan3A_142 = arith.constant 3 : i32
      %scan3A_143 = arith.addi %scan3A_114, %scan3A_142 : i32
      %mul3A_144 = arith.constant 16 : i32
      %mul3A_145 = arith.muli %scan3A_143, %mul3A_144 : i32
      %swap3A_146 = arith.index_cast %mul3A_145 : i32 to index
      %swap3A_147 = tpu.vector_load %arg6[%swap3A_146] {strides = array<i32>} : memref<32768xf32, #tpu.memory_space<vmem>>, vector<16xf32>,
      tpu.vector_store %arg6[%swap3A_146], %broadcast_in_dim3A_1 {strides = array<i32>} : memref<32768xf32, #tpu.memory_space<vmem>>, vector<16xf32>,
      %mul3A_148 = arith.constant 16 : i32
      %mul3A_149 = arith.muli %scan3A_143, %mul3A_148 : i32
      %swap3A_150 = arith.index_cast %mul3A_149 : i32 to index
      %swap3A_151 = tpu.vector_load %arg7[%swap3A_150] {strides = array<i32>} : memref<32768xf32, #tpu.memory_space<vmem>>, vector<16xf32>,
      tpu.vector_store %arg7[%swap3A_150], %broadcast_in_dim3A_1 {strides = array<i32>} : memref<32768xf32, #tpu.memory_space<vmem>>, vector<16xf32>,
      %scan3A_152 = arith.constant 4 : i32
      %scan3A_153 = arith.addi %scan3A_114, %scan3A_152 : i32
      %mul3A_154 = arith.constant 16 : i32
      %mul3A_155 = arith.muli %scan3A_153, %mul3A_154 : i32
      %swap3A_156 = arith.index_cast %mul3A_155 : i32 to index
      %swap3A_157 = tpu.vector_load %arg6[%swap3A_156] {strides = array<i32>} : memref<32768xf32, #tpu.memory_space<vmem>>, vector<16xf32>,
      tpu.vector_store %arg6[%swap3A_156], %broadcast_in_dim3A_1 {strides = array<i32>} : memref<32768xf32, #tpu.memory_space<vmem>>, vector<16xf32>,
      %mul3A_158 = arith.constant 16 : i32
      %mul3A_159 = arith.muli %scan3A_153, %mul3A_158 : i32
      %swap3A_160 = arith.index_cast %mul3A_159 : i32 to index
      %swap3A_161 = tpu.vector_load %arg7[%swap3A_160] {strides = array<i32>} : memref<32768xf32, #tpu.memory_space<vmem>>, vector<16xf32>,
      tpu.vector_store %arg7[%swap3A_160], %broadcast_in_dim3A_1 {strides = array<i32>} : memref<32768xf32, #tpu.memory_space<vmem>>, vector<16xf32>,
      %scan3A_162 = arith.constant 5 : i32
      %scan3A_163 = arith.addi %scan3A_114, %scan3A_162 : i32
      %mul3A_164 = arith.constant 16 : i32
      %mul3A_165 = arith.muli %scan3A_163, %mul3A_164 : i32
      %swap3A_166 = arith.index_cast %mul3A_165 : i32 to index
      %swap3A_167 = tpu.vector_load %arg6[%swap3A_166] {strides = array<i32>} : memref<32768xf32, #tpu.memory_space<vmem>>, vector<16xf32>,
      tpu.vector_store %arg6[%swap3A_166], %broadcast_in_dim3A_1 {strides = array<i32>} : memref<32768xf32, #tpu.memory_space<vmem>>, vector<16xf32>,
      %mul3A_168 = arith.constant 16 : i32
      %mul3A_169 = arith.muli %scan3A_163, %mul3A_168 : i32
      %swap3A_170 = arith.index_cast %mul3A_169 : i32 to index
      %swap3A_171 = tpu.vector_load %arg7[%swap3A_170] {strides = array<i32>} : memref<32768xf32, #tpu.memory_space<vmem>>, vector<16xf32>,
      tpu.vector_store %arg7[%swap3A_170], %broadcast_in_dim3A_1 {strides = array<i32>} : memref<32768xf32, #tpu.memory_space<vmem>>, vector<16xf32>,
      %scan3A_172 = arith.constant 6 : i32
      %scan3A_173 = arith.addi %scan3A_114, %scan3A_172 : i32
      %mul3A_174 = arith.constant 16 : i32
      %mul3A_175 = arith.muli %scan3A_173, %mul3A_174 : i32
      %swap3A_176 = arith.index_cast %mul3A_175 : i32 to index
      %swap3A_177 = tpu.vector_load %arg6[%swap3A_176] {strides = array<i32>} : memref<32768xf32, #tpu.memory_space<vmem>>, vector<16xf32>,
      tpu.vector_store %arg6[%swap3A_176], %broadcast_in_dim3A_1 {strides = array<i32>} : memref<32768xf32, #tpu.memory_space<vmem>>, vector<16xf32>,
      %mul3A_178 = arith.constant 16 : i32
      %mul3A_179 = arith.muli %scan3A_173, %mul3A_178 : i32
      %swap3A_180 = arith.index_cast %mul3A_179 : i32 to index
      %swap3A_181 = tpu.vector_load %arg7[%swap3A_180] {strides = array<i32>} : memref<32768xf32, #tpu.memory_space<vmem>>, vector<16xf32>,
      tpu.vector_store %arg7[%swap3A_180], %broadcast_in_dim3A_1 {strides = array<i32>} : memref<32768xf32, #tpu.memory_space<vmem>>, vector<16xf32>,
      %scan3A_182 = arith.constant 7 : i32
      %scan3A_183 = arith.addi %scan3A_114, %scan3A_182 : i32
      %mul3A_184 = arith.constant 16 : i32
      %mul3A_185 = arith.muli %scan3A_183, %mul3A_184 : i32
      %swap3A_186 = arith.index_cast %mul3A_185 : i32 to index
      %swap3A_187 = tpu.vector_load %arg6[%swap3A_186] {strides = array<i32>} : memref<32768xf32, #tpu.memory_space<vmem>>, vector<16xf32>,
      tpu.vector_store %arg6[%swap3A_186], %broadcast_in_dim3A_1 {strides = array<i32>} : memref<32768xf32, #tpu.memory_space<vmem>>, vector<16xf32>,
      %mul3A_188 = arith.constant 16 : i32
      %mul3A_189 = arith.muli %scan3A_183, %mul3A_188 : i32
      %swap3A_190 = arith.index_cast %mul3A_189 : i32 to index
      %swap3A_191 = tpu.vector_load %arg7[%swap3A_190] {strides = array<i32>} : memref<32768xf32, #tpu.memory_space<vmem>>, vector<16xf32>,
      tpu.vector_store %arg7[%swap3A_190], %broadcast_in_dim3A_1 {strides = array<i32>} : memref<32768xf32, #tpu.memory_space<vmem>>, vector<16xf32>,
    }
    %scan3A_6 = arith.constant 2048 : i32
    %mul3A_7 = arith.constant 32 : i32
    %mul3A_8 = arith.muli %add3A, %mul3A_7 : i32
    %iota3A = tpu.iota {dimensions = array<i32: 0>} : vector<16xi32>
    %broadcast_in_dim3A_9 = arith.constant 1.000000e+00 : f32
    %broadcast_in_dim3A_10 = vector.broadcast %broadcast_in_dim3A_9 : f32 to vector<16xf32>
    %broadcast_in_dim3A_11 = arith.constant 0 : i32
    %broadcast_in_dim3A_12 = vector.broadcast %broadcast_in_dim3A_11 : i32 to vector<16xi32>
    %scan3A_13 = arith.constant 0 : i32
    %scan3A_14 = arith.constant 0 : i32
    %scan3A_15 = arith.constant 624 : i32
    %scan3A_16 = arith.addi %scan3A_14, %scan3A_15 : i32
    %scan3A_17 = arith.constant 4 : i32
    scf.for %scan3A_114 = %scan3A_14 to %scan3A_16 step %scan3A_17  : i32 {
      %mul3A_115 = arith.constant 16 : i32
      %mul3A_116 = arith.muli %scan3A_114, %mul3A_115 : i32
      %get3A_117 = arith.index_cast %mul3A_116 : i32 to index
      %get3A_118 = tpu.vector_load %arg8[%get3A_117] {strides = array<i32>} : memref<10016xi32, #tpu.memory_space<vmem>>, vector<16xi32>,
      %mul3A_119 = arith.constant 16 : i32
      %mul3A_120 = arith.muli %scan3A_114, %mul3A_119 : i32
      %get3A_121 = arith.index_cast %mul3A_120 : i32 to index
      %get3A_122 = tpu.vector_load %arg9[%get3A_121] {strides = array<i32>} : memref<10016xi32, #tpu.memory_space<vmem>>, vector<16xi32>,
      %sub3A_123 = vector.broadcast %mul3A_8 : i32 to vector<16xi32>
      %sub3A_124 = arith.subi %get3A_118, %sub3A_123 : vector<16xi32>
      %ge3A_125 = arith.constant 0 : i32
      %ge3A_126 = vector.broadcast %ge3A_125 : i32 to vector<16xi32>
      %ge3A_127 = arith.cmpi sge, %sub3A_124, %ge3A_126 : vector<16xi32>
      %lt3A_128 = arith.constant 32 : i32
      %lt3A_129 = vector.broadcast %lt3A_128 : i32 to vector<16xi32>
      %lt3A_130 = arith.cmpi slt, %sub3A_124, %lt3A_129 : vector<16xi32>
      %and3A_131 = arith.andi %ge3A_127, %lt3A_130 : vector<16xi1>
      %mul3A_132 = arith.constant 16 : i32
      %mul3A_133 = arith.muli %scan3A_114, %mul3A_132 : i32
      %add3A_134 = vector.broadcast %mul3A_133 : i32 to vector<16xi32>
      %add3A_135 = arith.addi %iota3A, %add3A_134 : vector<16xi32>
      %lt3A_136 = arith.constant 10000 : i32
      %lt3A_137 = vector.broadcast %lt3A_136 : i32 to vector<16xi32>
      %lt3A_138 = arith.cmpi slt, %add3A_135, %lt3A_137 : vector<16xi32>
      %and3A_139 = arith.andi %and3A_131, %lt3A_138 : vector<16xi1>
      %and3A_140 = arith.constant 1 : i32
      %and3A_141 = vector.broadcast %and3A_140 : i32 to vector<16xi32>
      %and3A_142 = arith.andi %get3A_122, %and3A_141 : vector<16xi32>
      %eq3A_143 = arith.constant 1 : i32
      %eq3A_144 = vector.broadcast %eq3A_143 : i32 to vector<16xi32>
      %eq3A_145 = arith.cmpi eq, %and3A_142, %eq3A_144 : vector<16xi32>
      %mul3A_146 = arith.constant 1024 : i32
      %mul3A_147 = vector.broadcast %mul3A_146 : i32 to vector<16xi32>
      %mul3A_148 = arith.muli %sub3A_124, %mul3A_147 : vector<16xi32>
      %shift_right_arithmetic3A_149 = arith.constant 1 : i32
      %shift_right_arithmetic3A_150 = vector.broadcast %shift_right_arithmetic3A_149 : i32 to vector<16xi32>
      %shift_right_arithmetic3A_151 = arith.shrsi %get3A_122, %shift_right_arithmetic3A_150 : vector<16xi32>
      %add3A_152 = arith.addi %mul3A_148, %shift_right_arithmetic3A_151 : vector<16xi32>
      %not3A_153 = arith.constant dense<true> : vector<16xi1>
      %not3A_154 = arith.xori %eq3A_145, %not3A_153 : vector<16xi1>
      %and3A_155 = arith.andi %and3A_139, %not3A_154 : vector<16xi1>
      %select_n3A_156 = arith.select %and3A_155, %add3A_152, %broadcast_in_dim3A_12 : vector<16xi1>, vector<16xi32>
      %and3A_157 = arith.andi %and3A_139, %eq3A_145 : vector<16xi1>
      %select_n3A_158 = arith.select %and3A_157, %add3A_152, %broadcast_in_dim3A_12 : vector<16xi1>, vector<16xi32>
      %not3A_159 = arith.constant dense<true> : vector<16xi1>
      %not3A_160 = arith.xori %eq3A_145, %not3A_159 : vector<16xi1>
      %and3A_161 = arith.andi %and3A_139, %not3A_160 : vector<16xi1>
      tpu.vector_store_idx %arg6[%select_n3A_156], %broadcast_in_dim3A_10 masked %and3A_161 {add = true} : memref<32768xf32, #tpu.memory_space<vmem>>[vector<16xi32>], vector<16xf32>, vector<16xi1>
      %and3A_162 = arith.andi %and3A_139, %eq3A_145 : vector<16xi1>
      tpu.vector_store_idx %arg7[%select_n3A_158], %broadcast_in_dim3A_10 masked %and3A_162 {add = true} : memref<32768xf32, #tpu.memory_space<vmem>>[vector<16xi32>], vector<16xf32>, vector<16xi1>
      %scan3A_163 = arith.constant 1 : i32
      %scan3A_164 = arith.addi %scan3A_114, %scan3A_163 : i32
      %mul3A_165 = arith.constant 16 : i32
      %mul3A_166 = arith.muli %scan3A_164, %mul3A_165 : i32
      %get3A_167 = arith.index_cast %mul3A_166 : i32 to index
      %get3A_168 = tpu.vector_load %arg8[%get3A_167] {strides = array<i32>} : memref<10016xi32, #tpu.memory_space<vmem>>, vector<16xi32>,
      %mul3A_169 = arith.constant 16 : i32
      %mul3A_170 = arith.muli %scan3A_164, %mul3A_169 : i32
      %get3A_171 = arith.index_cast %mul3A_170 : i32 to index
      %get3A_172 = tpu.vector_load %arg9[%get3A_171] {strides = array<i32>} : memref<10016xi32, #tpu.memory_space<vmem>>, vector<16xi32>,
      %sub3A_173 = vector.broadcast %mul3A_8 : i32 to vector<16xi32>
      %sub3A_174 = arith.subi %get3A_168, %sub3A_173 : vector<16xi32>
      %ge3A_175 = arith.constant 0 : i32
      %ge3A_176 = vector.broadcast %ge3A_175 : i32 to vector<16xi32>
      %ge3A_177 = arith.cmpi sge, %sub3A_174, %ge3A_176 : vector<16xi32>
      %lt3A_178 = arith.constant 32 : i32
      %lt3A_179 = vector.broadcast %lt3A_178 : i32 to vector<16xi32>
      %lt3A_180 = arith.cmpi slt, %sub3A_174, %lt3A_179 : vector<16xi32>
      %and3A_181 = arith.andi %ge3A_177, %lt3A_180 : vector<16xi1>
      %mul3A_182 = arith.constant 16 : i32
      %mul3A_183 = arith.muli %scan3A_164, %mul3A_182 : i32
      %add3A_184 = vector.broadcast %mul3A_183 : i32 to vector<16xi32>
      %add3A_185 = arith.addi %iota3A, %add3A_184 : vector<16xi32>
      %lt3A_186 = arith.constant 10000 : i32
      %lt3A_187 = vector.broadcast %lt3A_186 : i32 to vector<16xi32>
      %lt3A_188 = arith.cmpi slt, %add3A_185, %lt3A_187 : vector<16xi32>
      %and3A_189 = arith.andi %and3A_181, %lt3A_188 : vector<16xi1>
      %and3A_190 = arith.constant 1 : i32
      %and3A_191 = vector.broadcast %and3A_190 : i32 to vector<16xi32>
      %and3A_192 = arith.andi %get3A_172, %and3A_191 : vector<16xi32>
      %eq3A_193 = arith.constant 1 : i32
      %eq3A_194 = vector.broadcast %eq3A_193 : i32 to vector<16xi32>
      %eq3A_195 = arith.cmpi eq, %and3A_192, %eq3A_194 : vector<16xi32>
      %mul3A_196 = arith.constant 1024 : i32
      %mul3A_197 = vector.broadcast %mul3A_196 : i32 to vector<16xi32>
      %mul3A_198 = arith.muli %sub3A_174, %mul3A_197 : vector<16xi32>
      %shift_right_arithmetic3A_199 = arith.constant 1 : i32
      %shift_right_arithmetic3A_200 = vector.broadcast %shift_right_arithmetic3A_199 : i32 to vector<16xi32>
      %shift_right_arithmetic3A_201 = arith.shrsi %get3A_172, %shift_right_arithmetic3A_200 : vector<16xi32>
      %add3A_202 = arith.addi %mul3A_198, %shift_right_arithmetic3A_201 : vector<16xi32>
      %not3A_203 = arith.constant dense<true> : vector<16xi1>
      %not3A_204 = arith.xori %eq3A_195, %not3A_203 : vector<16xi1>
      %and3A_205 = arith.andi %and3A_189, %not3A_204 : vector<16xi1>
      %select_n3A_206 = arith.select %and3A_205, %add3A_202, %broadcast_in_dim3A_12 : vector<16xi1>, vector<16xi32>
      %and3A_207 = arith.andi %and3A_189, %eq3A_195 : vector<16xi1>
      %select_n3A_208 = arith.select %and3A_207, %add3A_202, %broadcast_in_dim3A_12 : vector<16xi1>, vector<16xi32>
      %not3A_209 = arith.constant dense<true> : vector<16xi1>
      %not3A_210 = arith.xori %eq3A_195, %not3A_209 : vector<16xi1>
      %and3A_211 = arith.andi %and3A_189, %not3A_210 : vector<16xi1>
      tpu.vector_store_idx %arg6[%select_n3A_206], %broadcast_in_dim3A_10 masked %and3A_211 {add = true} : memref<32768xf32, #tpu.memory_space<vmem>>[vector<16xi32>], vector<16xf32>, vector<16xi1>
      %and3A_212 = arith.andi %and3A_189, %eq3A_195 : vector<16xi1>
      tpu.vector_store_idx %arg7[%select_n3A_208], %broadcast_in_dim3A_10 masked %and3A_212 {add = true} : memref<32768xf32, #tpu.memory_space<vmem>>[vector<16xi32>], vector<16xf32>, vector<16xi1>
      %scan3A_213 = arith.constant 2 : i32
      %scan3A_214 = arith.addi %scan3A_114, %scan3A_213 : i32
      %mul3A_215 = arith.constant 16 : i32
      %mul3A_216 = arith.muli %scan3A_214, %mul3A_215 : i32
      %get3A_217 = arith.index_cast %mul3A_216 : i32 to index
      %get3A_218 = tpu.vector_load %arg8[%get3A_217] {strides = array<i32>} : memref<10016xi32, #tpu.memory_space<vmem>>, vector<16xi32>,
      %mul3A_219 = arith.constant 16 : i32
      %mul3A_220 = arith.muli %scan3A_214, %mul3A_219 : i32
      %get3A_221 = arith.index_cast %mul3A_220 : i32 to index
      %get3A_222 = tpu.vector_load %arg9[%get3A_221] {strides = array<i32>} : memref<10016xi32, #tpu.memory_space<vmem>>, vector<16xi32>,
      %sub3A_223 = vector.broadcast %mul3A_8 : i32 to vector<16xi32>
      %sub3A_224 = arith.subi %get3A_218, %sub3A_223 : vector<16xi32>
      %ge3A_225 = arith.constant 0 : i32
      %ge3A_226 = vector.broadcast %ge3A_225 : i32 to vector<16xi32>
      %ge3A_227 = arith.cmpi sge, %sub3A_224, %ge3A_226 : vector<16xi32>
      %lt3A_228 = arith.constant 32 : i32
      %lt3A_229 = vector.broadcast %lt3A_228 : i32 to vector<16xi32>
      %lt3A_230 = arith.cmpi slt, %sub3A_224, %lt3A_229 : vector<16xi32>
      %and3A_231 = arith.andi %ge3A_227, %lt3A_230 : vector<16xi1>
      %mul3A_232 = arith.constant 16 : i32
      %mul3A_233 = arith.muli %scan3A_214, %mul3A_232 : i32
      %add3A_234 = vector.broadcast %mul3A_233 : i32 to vector<16xi32>
      %add3A_235 = arith.addi %iota3A, %add3A_234 : vector<16xi32>
      %lt3A_236 = arith.constant 10000 : i32
      %lt3A_237 = vector.broadcast %lt3A_236 : i32 to vector<16xi32>
      %lt3A_238 = arith.cmpi slt, %add3A_235, %lt3A_237 : vector<16xi32>
      %and3A_239 = arith.andi %and3A_231, %lt3A_238 : vector<16xi1>
      %and3A_240 = arith.constant 1 : i32
      %and3A_241 = vector.broadcast %and3A_240 : i32 to vector<16xi32>
      %and3A_242 = arith.andi %get3A_222, %and3A_241 : vector<16xi32>
      %eq3A_243 = arith.constant 1 : i32
      %eq3A_244 = vector.broadcast %eq3A_243 : i32 to vector<16xi32>
      %eq3A_245 = arith.cmpi eq, %and3A_242, %eq3A_244 : vector<16xi32>
      %mul3A_246 = arith.constant 1024 : i32
      %mul3A_247 = vector.broadcast %mul3A_246 : i32 to vector<16xi32>
      %mul3A_248 = arith.muli %sub3A_224, %mul3A_247 : vector<16xi32>
      %shift_right_arithmetic3A_249 = arith.constant 1 : i32
      %shift_right_arithmetic3A_250 = vector.broadcast %shift_right_arithmetic3A_249 : i32 to vector<16xi32>
      %shift_right_arithmetic3A_251 = arith.shrsi %get3A_222, %shift_right_arithmetic3A_250 : vector<16xi32>
      %add3A_252 = arith.addi %mul3A_248, %shift_right_arithmetic3A_251 : vector<16xi32>
      %not3A_253 = arith.constant dense<true> : vector<16xi1>
      %not3A_254 = arith.xori %eq3A_245, %not3A_253 : vector<16xi1>
      %and3A_255 = arith.andi %and3A_239, %not3A_254 : vector<16xi1>
      %select_n3A_256 = arith.select %and3A_255, %add3A_252, %broadcast_in_dim3A_12 : vector<16xi1>, vector<16xi32>
      %and3A_257 = arith.andi %and3A_239, %eq3A_245 : vector<16xi1>
      %select_n3A_258 = arith.select %and3A_257, %add3A_252, %broadcast_in_dim3A_12 : vector<16xi1>, vector<16xi32>
      %not3A_259 = arith.constant dense<true> : vector<16xi1>
      %not3A_260 = arith.xori %eq3A_245, %not3A_259 : vector<16xi1>
      %and3A_261 = arith.andi %and3A_239, %not3A_260 : vector<16xi1>
      tpu.vector_store_idx %arg6[%select_n3A_256], %broadcast_in_dim3A_10 masked %and3A_261 {add = true} : memref<32768xf32, #tpu.memory_space<vmem>>[vector<16xi32>], vector<16xf32>, vector<16xi1>
      %and3A_262 = arith.andi %and3A_239, %eq3A_245 : vector<16xi1>
      tpu.vector_store_idx %arg7[%select_n3A_258], %broadcast_in_dim3A_10 masked %and3A_262 {add = true} : memref<32768xf32, #tpu.memory_space<vmem>>[vector<16xi32>], vector<16xf32>, vector<16xi1>
      %scan3A_263 = arith.constant 3 : i32
      %scan3A_264 = arith.addi %scan3A_114, %scan3A_263 : i32
      %mul3A_265 = arith.constant 16 : i32
      %mul3A_266 = arith.muli %scan3A_264, %mul3A_265 : i32
      %get3A_267 = arith.index_cast %mul3A_266 : i32 to index
      %get3A_268 = tpu.vector_load %arg8[%get3A_267] {strides = array<i32>} : memref<10016xi32, #tpu.memory_space<vmem>>, vector<16xi32>,
      %mul3A_269 = arith.constant 16 : i32
      %mul3A_270 = arith.muli %scan3A_264, %mul3A_269 : i32
      %get3A_271 = arith.index_cast %mul3A_270 : i32 to index
      %get3A_272 = tpu.vector_load %arg9[%get3A_271] {strides = array<i32>} : memref<10016xi32, #tpu.memory_space<vmem>>, vector<16xi32>,
      %sub3A_273 = vector.broadcast %mul3A_8 : i32 to vector<16xi32>
      %sub3A_274 = arith.subi %get3A_268, %sub3A_273 : vector<16xi32>
      %ge3A_275 = arith.constant 0 : i32
      %ge3A_276 = vector.broadcast %ge3A_275 : i32 to vector<16xi32>
      %ge3A_277 = arith.cmpi sge, %sub3A_274, %ge3A_276 : vector<16xi32>
      %lt3A_278 = arith.constant 32 : i32
      %lt3A_279 = vector.broadcast %lt3A_278 : i32 to vector<16xi32>
      %lt3A_280 = arith.cmpi slt, %sub3A_274, %lt3A_279 : vector<16xi32>
      %and3A_281 = arith.andi %ge3A_277, %lt3A_280 : vector<16xi1>
      %mul3A_282 = arith.constant 16 : i32
      %mul3A_283 = arith.muli %scan3A_264, %mul3A_282 : i32
      %add3A_284 = vector.broadcast %mul3A_283 : i32 to vector<16xi32>
      %add3A_285 = arith.addi %iota3A, %add3A_284 : vector<16xi32>
      %lt3A_286 = arith.constant 10000 : i32
      %lt3A_287 = vector.broadcast %lt3A_286 : i32 to vector<16xi32>
      %lt3A_288 = arith.cmpi slt, %add3A_285, %lt3A_287 : vector<16xi32>
      %and3A_289 = arith.andi %and3A_281, %lt3A_288 : vector<16xi1>
      %and3A_290 = arith.constant 1 : i32
      %and3A_291 = vector.broadcast %and3A_290 : i32 to vector<16xi32>
      %and3A_292 = arith.andi %get3A_272, %and3A_291 : vector<16xi32>
      %eq3A_293 = arith.constant 1 : i32
      %eq3A_294 = vector.broadcast %eq3A_293 : i32 to vector<16xi32>
      %eq3A_295 = arith.cmpi eq, %and3A_292, %eq3A_294 : vector<16xi32>
      %mul3A_296 = arith.constant 1024 : i32
      %mul3A_297 = vector.broadcast %mul3A_296 : i32 to vector<16xi32>
      %mul3A_298 = arith.muli %sub3A_274, %mul3A_297 : vector<16xi32>
      %shift_right_arithmetic3A_299 = arith.constant 1 : i32
      %shift_right_arithmetic3A_300 = vector.broadcast %shift_right_arithmetic3A_299 : i32 to vector<16xi32>
      %shift_right_arithmetic3A_301 = arith.shrsi %get3A_272, %shift_right_arithmetic3A_300 : vector<16xi32>
      %add3A_302 = arith.addi %mul3A_298, %shift_right_arithmetic3A_301 : vector<16xi32>
      %not3A_303 = arith.constant dense<true> : vector<16xi1>
      %not3A_304 = arith.xori %eq3A_295, %not3A_303 : vector<16xi1>
      %and3A_305 = arith.andi %and3A_289, %not3A_304 : vector<16xi1>
      %select_n3A_306 = arith.select %and3A_305, %add3A_302, %broadcast_in_dim3A_12 : vector<16xi1>, vector<16xi32>
      %and3A_307 = arith.andi %and3A_289, %eq3A_295 : vector<16xi1>
      %select_n3A_308 = arith.select %and3A_307, %add3A_302, %broadcast_in_dim3A_12 : vector<16xi1>, vector<16xi32>
      %not3A_309 = arith.constant dense<true> : vector<16xi1>
      %not3A_310 = arith.xori %eq3A_295, %not3A_309 : vector<16xi1>
      %and3A_311 = arith.andi %and3A_289, %not3A_310 : vector<16xi1>
      tpu.vector_store_idx %arg6[%select_n3A_306], %broadcast_in_dim3A_10 masked %and3A_311 {add = true} : memref<32768xf32, #tpu.memory_space<vmem>>[vector<16xi32>], vector<16xf32>, vector<16xi1>
      %and3A_312 = arith.andi %and3A_289, %eq3A_295 : vector<16xi1>
      tpu.vector_store_idx %arg7[%select_n3A_308], %broadcast_in_dim3A_10 masked %and3A_312 {add = true} : memref<32768xf32, #tpu.memory_space<vmem>>[vector<16xi32>], vector<16xf32>, vector<16xi1>
    }
    %scan3A_18 = arith.constant 624 : i32
    %scan3A_19 = arith.addi %scan3A_14, %scan3A_18 : i32
    %mul3A_20 = arith.constant 16 : i32
    %mul3A_21 = arith.muli %scan3A_19, %mul3A_20 : i32
    %get3A = arith.index_cast %mul3A_21 : i32 to index
    %get3A_22 = tpu.vector_load %arg8[%get3A] {strides = array<i32>} : memref<10016xi32, #tpu.memory_space<vmem>>, vector<16xi32>,
    %mul3A_23 = arith.constant 16 : i32
    %mul3A_24 = arith.muli %scan3A_19, %mul3A_23 : i32
    %get3A_25 = arith.index_cast %mul3A_24 : i32 to index
    %get3A_26 = tpu.vector_load %arg9[%get3A_25] {strides = array<i32>} : memref<10016xi32, #tpu.memory_space<vmem>>, vector<16xi32>,
    %sub3A = vector.broadcast %mul3A_8 : i32 to vector<16xi32>
    %sub3A_27 = arith.subi %get3A_22, %sub3A : vector<16xi32>
    %ge3A = arith.constant 0 : i32
    %ge3A_28 = vector.broadcast %ge3A : i32 to vector<16xi32>
    %ge3A_29 = arith.cmpi sge, %sub3A_27, %ge3A_28 : vector<16xi32>
    %lt3A = arith.constant 32 : i32
    %lt3A_30 = vector.broadcast %lt3A : i32 to vector<16xi32>
    %lt3A_31 = arith.cmpi slt, %sub3A_27, %lt3A_30 : vector<16xi32>
    %and3A = arith.andi %ge3A_29, %lt3A_31 : vector<16xi1>
    %mul3A_32 = arith.constant 16 : i32
    %mul3A_33 = arith.muli %scan3A_19, %mul3A_32 : i32
    %add3A_34 = vector.broadcast %mul3A_33 : i32 to vector<16xi32>
    %add3A_35 = arith.addi %iota3A, %add3A_34 : vector<16xi32>
    %lt3A_36 = arith.constant 10000 : i32
    %lt3A_37 = vector.broadcast %lt3A_36 : i32 to vector<16xi32>
    %lt3A_38 = arith.cmpi slt, %add3A_35, %lt3A_37 : vector<16xi32>
    %and3A_39 = arith.andi %and3A, %lt3A_38 : vector<16xi1>
    %and3A_40 = arith.constant 1 : i32
    %and3A_41 = vector.broadcast %and3A_40 : i32 to vector<16xi32>
    %and3A_42 = arith.andi %get3A_26, %and3A_41 : vector<16xi32>
    %eq3A = arith.constant 1 : i32
    %eq3A_43 = vector.broadcast %eq3A : i32 to vector<16xi32>
    %eq3A_44 = arith.cmpi eq, %and3A_42, %eq3A_43 : vector<16xi32>
    %mul3A_45 = arith.constant 1024 : i32
    %mul3A_46 = vector.broadcast %mul3A_45 : i32 to vector<16xi32>
    %mul3A_47 = arith.muli %sub3A_27, %mul3A_46 : vector<16xi32>
    %shift_right_arithmetic3A = arith.constant 1 : i32
    %shift_right_arithmetic3A_48 = vector.broadcast %shift_right_arithmetic3A : i32 to vector<16xi32>
    %shift_right_arithmetic3A_49 = arith.shrsi %get3A_26, %shift_right_arithmetic3A_48 : vector<16xi32>
    %add3A_50 = arith.addi %mul3A_47, %shift_right_arithmetic3A_49 : vector<16xi32>
    %not3A = arith.constant dense<true> : vector<16xi1>
    %not3A_51 = arith.xori %eq3A_44, %not3A : vector<16xi1>
    %and3A_52 = arith.andi %and3A_39, %not3A_51 : vector<16xi1>
    %select_n3A = arith.select %and3A_52, %add3A_50, %broadcast_in_dim3A_12 : vector<16xi1>, vector<16xi32>
    %and3A_53 = arith.andi %and3A_39, %eq3A_44 : vector<16xi1>
    %select_n3A_54 = arith.select %and3A_53, %add3A_50, %broadcast_in_dim3A_12 : vector<16xi1>, vector<16xi32>
    %not3A_55 = arith.constant dense<true> : vector<16xi1>
    %not3A_56 = arith.xori %eq3A_44, %not3A_55 : vector<16xi1>
    %and3A_57 = arith.andi %and3A_39, %not3A_56 : vector<16xi1>
    tpu.vector_store_idx %arg6[%select_n3A], %broadcast_in_dim3A_10 masked %and3A_57 {add = true} : memref<32768xf32, #tpu.memory_space<vmem>>[vector<16xi32>], vector<16xf32>, vector<16xi1>
    %and3A_58 = arith.andi %and3A_39, %eq3A_44 : vector<16xi1>
    tpu.vector_store_idx %arg7[%select_n3A_54], %broadcast_in_dim3A_10 masked %and3A_58 {add = true} : memref<32768xf32, #tpu.memory_space<vmem>>[vector<16xi32>], vector<16xf32>, vector<16xi1>
    %scan3A_59 = arith.constant 625 : i32
    %scan3A_60 = arith.addi %scan3A_14, %scan3A_59 : i32
    %mul3A_61 = arith.constant 16 : i32
    %mul3A_62 = arith.muli %scan3A_60, %mul3A_61 : i32
    %get3A_63 = arith.index_cast %mul3A_62 : i32 to index
    %get3A_64 = tpu.vector_load %arg8[%get3A_63] {strides = array<i32>} : memref<10016xi32, #tpu.memory_space<vmem>>, vector<16xi32>,
    %mul3A_65 = arith.constant 16 : i32
    %mul3A_66 = arith.muli %scan3A_60, %mul3A_65 : i32
    %get3A_67 = arith.index_cast %mul3A_66 : i32 to index
    %get3A_68 = tpu.vector_load %arg9[%get3A_67] {strides = array<i32>} : memref<10016xi32, #tpu.memory_space<vmem>>, vector<16xi32>,
    %sub3A_69 = vector.broadcast %mul3A_8 : i32 to vector<16xi32>
    %sub3A_70 = arith.subi %get3A_64, %sub3A_69 : vector<16xi32>
    %ge3A_71 = arith.constant 0 : i32
    %ge3A_72 = vector.broadcast %ge3A_71 : i32 to vector<16xi32>
    %ge3A_73 = arith.cmpi sge, %sub3A_70, %ge3A_72 : vector<16xi32>
    %lt3A_74 = arith.constant 32 : i32
    %lt3A_75 = vector.broadcast %lt3A_74 : i32 to vector<16xi32>
    %lt3A_76 = arith.cmpi slt, %sub3A_70, %lt3A_75 : vector<16xi32>
    %and3A_77 = arith.andi %ge3A_73, %lt3A_76 : vector<16xi1>
    %mul3A_78 = arith.constant 16 : i32
    %mul3A_79 = arith.muli %scan3A_60, %mul3A_78 : i32
    %add3A_80 = vector.broadcast %mul3A_79 : i32 to vector<16xi32>
    %add3A_81 = arith.addi %iota3A, %add3A_80 : vector<16xi32>
    %lt3A_82 = arith.constant 10000 : i32
    %lt3A_83 = vector.broadcast %lt3A_82 : i32 to vector<16xi32>
    %lt3A_84 = arith.cmpi slt, %add3A_81, %lt3A_83 : vector<16xi32>
    %and3A_85 = arith.andi %and3A_77, %lt3A_84 : vector<16xi1>
    %and3A_86 = arith.constant 1 : i32
    %and3A_87 = vector.broadcast %and3A_86 : i32 to vector<16xi32>
    %and3A_88 = arith.andi %get3A_68, %and3A_87 : vector<16xi32>
    %eq3A_89 = arith.constant 1 : i32
    %eq3A_90 = vector.broadcast %eq3A_89 : i32 to vector<16xi32>
    %eq3A_91 = arith.cmpi eq, %and3A_88, %eq3A_90 : vector<16xi32>
    %mul3A_92 = arith.constant 1024 : i32
    %mul3A_93 = vector.broadcast %mul3A_92 : i32 to vector<16xi32>
    %mul3A_94 = arith.muli %sub3A_70, %mul3A_93 : vector<16xi32>
    %shift_right_arithmetic3A_95 = arith.constant 1 : i32
    %shift_right_arithmetic3A_96 = vector.broadcast %shift_right_arithmetic3A_95 : i32 to vector<16xi32>
    %shift_right_arithmetic3A_97 = arith.shrsi %get3A_68, %shift_right_arithmetic3A_96 : vector<16xi32>
    %add3A_98 = arith.addi %mul3A_94, %shift_right_arithmetic3A_97 : vector<16xi32>
    %not3A_99 = arith.constant dense<true> : vector<16xi1>
    %not3A_100 = arith.xori %eq3A_91, %not3A_99 : vector<16xi1>
    %and3A_101 = arith.andi %and3A_85, %not3A_100 : vector<16xi1>
    %select_n3A_102 = arith.select %and3A_101, %add3A_98, %broadcast_in_dim3A_12 : vector<16xi1>, vector<16xi32>
    %and3A_103 = arith.andi %and3A_85, %eq3A_91 : vector<16xi1>
    %select_n3A_104 = arith.select %and3A_103, %add3A_98, %broadcast_in_dim3A_12 : vector<16xi1>, vector<16xi32>
    %not3A_105 = arith.constant dense<true> : vector<16xi1>
    %not3A_106 = arith.xori %eq3A_91, %not3A_105 : vector<16xi1>
    %and3A_107 = arith.andi %and3A_85, %not3A_106 : vector<16xi1>
    tpu.vector_store_idx %arg6[%select_n3A_102], %broadcast_in_dim3A_10 masked %and3A_107 {add = true} : memref<32768xf32, #tpu.memory_space<vmem>>[vector<16xi32>], vector<16xf32>, vector<16xi1>
    %and3A_108 = arith.andi %and3A_85, %eq3A_91 : vector<16xi1>
    tpu.vector_store_idx %arg7[%select_n3A_104], %broadcast_in_dim3A_10 masked %and3A_108 {add = true} : memref<32768xf32, #tpu.memory_space<vmem>>[vector<16xi32>], vector<16xf32>, vector<16xi1>
    %scan3A_109 = arith.constant 626 : i32
    %mul3A_110 = arith.constant 32768 : i32
    %mul3A_111 = arith.muli %add3A, %mul3A_110 : i32
    "tpu.region"() ({
      %run_scoped3A = tpu.sem_alloc : memref<!tpu.dma_semaphore, #tpu.memory_space<semaphore_mem>>
      %dma_start3A = tpu.memref_slice %arg4[%mul3A_111] : memref<1048576xf32, #tpu.memory_space<hbm>> -> memref<32768xf32, #tpu.memory_space<hbm>>
      %dma_start3A_114 = tpu.memref_slice %arg4[%mul3A_111] : memref<1048576xf32, #tpu.memory_space<hbm>> -> memref<32768xf32, #tpu.memory_space<hbm>>
      tpu.enqueue_dma source(%arg6 : memref<32768xf32, #tpu.memory_space<vmem>>) target(%dma_start3A_114 : memref<32768xf32, #tpu.memory_space<hbm>>) target_semaphore(%run_scoped3A : memref<!tpu.dma_semaphore, #tpu.memory_space<semaphore_mem>>)
      %dma_wait3A = tpu.memref_slice %arg4[%mul3A_111] : memref<1048576xf32, #tpu.memory_space<hbm>> -> memref<32768xf32, #tpu.memory_space<hbm>>
      %dma_wait3A_115 = tpu.memref_slice %arg4[%mul3A_111] : memref<1048576xf32, #tpu.memory_space<hbm>> -> memref<32768xf32, #tpu.memory_space<hbm>>
      tpu.wait_dma2 semaphore(%run_scoped3A : memref<!tpu.dma_semaphore, #tpu.memory_space<semaphore_mem>>) src(%arg6 : memref<32768xf32, #tpu.memory_space<vmem>>) dst(%dma_wait3A_115 : memref<32768xf32, #tpu.memory_space<hbm>>)
      tpu.yield
    }) : () -> ()
    %mul3A_112 = arith.constant 32768 : i32
    %mul3A_113 = arith.muli %add3A, %mul3A_112 : i32
    "tpu.region"() ({
      %run_scoped3A = tpu.sem_alloc : memref<!tpu.dma_semaphore, #tpu.memory_space<semaphore_mem>>
      %dma_start3A = tpu.memref_slice %arg5[%mul3A_113] : memref<1048576xf32, #tpu.memory_space<hbm>> -> memref<32768xf32, #tpu.memory_space<hbm>>
      %dma_start3A_114 = tpu.memref_slice %arg5[%mul3A_113] : memref<1048576xf32, #tpu.memory_space<hbm>> -> memref<32768xf32, #tpu.memory_space<hbm>>
      tpu.enqueue_dma source(%arg7 : memref<32768xf32, #tpu.memory_space<vmem>>) target(%dma_start3A_114 : memref<32768xf32, #tpu.memory_space<hbm>>) target_semaphore(%run_scoped3A : memref<!tpu.dma_semaphore, #tpu.memory_space<semaphore_mem>>)
      %dma_wait3A = tpu.memref_slice %arg5[%mul3A_113] : memref<1048576xf32, #tpu.memory_space<hbm>> -> memref<32768xf32, #tpu.memory_space<hbm>>
      %dma_wait3A_115 = tpu.memref_slice %arg5[%mul3A_113] : memref<1048576xf32, #tpu.memory_space<hbm>> -> memref<32768xf32, #tpu.memory_space<hbm>>
      tpu.wait_dma2 semaphore(%run_scoped3A : memref<!tpu.dma_semaphore, #tpu.memory_space<semaphore_mem>>) src(%arg7 : memref<32768xf32, #tpu.memory_space<vmem>>) dst(%dma_wait3A_115 : memref<32768xf32, #tpu.memory_space<hbm>>)
      tpu.yield
    }) : () -> ()
    return
  }
}

module attributes {stable_mosaic.version = 14 : i64} {
  func.func @_tc_body(%arg0: i32, %arg1: memref<256x1000xf32, #tpu.memory_space<vmem>>, %arg2: memref<1000x1024xf32, #tpu.memory_space<vmem>>, %arg3: memref<1000x1024xf32, #tpu.memory_space<vmem>>, %arg4: memref<256x1998xf32, #tpu.memory_space<vmem>>, %arg5: memref<256x1998xf32, #tpu.memory_space<vmem>>, %arg6: memref<256x999xi32, #tpu.memory_space<vmem>>, %arg7: memref<1x1024xf32, #tpu.memory_space<vmem>>, %arg8: memref<1x1024xf32, #tpu.memory_space<vmem>>, %arg9: memref<1000x1024xbf16, #tpu.memory_space<vmem>>, %arg10: memref<1000x1024xbf16, #tpu.memory_space<vmem>>, %arg11: memref<1024x2048xbf16, #tpu.memory_space<vmem>>, %arg12: memref<1024x2048xbf16, #tpu.memory_space<vmem>>) attributes {dimension_semantics = [#tpu.dimension_semantics<arbitrary>], iteration_bounds = array<i64: 16>, scalar_prefetch = 0 : i64, scratch_operands = 6 : i64, tpu.core_type = #tpu.core_type<tc>, window_params = [{transform_indices = @transform_0, window_bounds = array<i64: 256, 1000>}, {transform_indices = @transform_1, window_bounds = array<i64: 1000, 1024>}, {transform_indices = @transform_2, window_bounds = array<i64: 1000, 1024>}, {transform_indices = @transform_3, window_bounds = array<i64: 256, 1998>}, {transform_indices = @transform_4, window_bounds = array<i64: 256, 1998>}, {transform_indices = @transform_5, window_bounds = array<i64: 256, 999>}]} {
    %eq3A = arith.constant 0 : i32
    %eq3A_0 = arith.cmpi eq, %arg0, %eq3A : i32
    %convert_element_type3A = arith.extui %eq3A_0 : i1 to i32
    %cond3A = arith.constant 0 : i32
    %cond3A_1 = arith.cmpi ne, %convert_element_type3A, %cond3A : i32
    scf.if %cond3A_1 {
      %get3A_94 = arith.constant 0 : index
      %get3A_95 = arith.constant 0 : index
      %get3A_96 = vector.load %arg2[%get3A_94, %get3A_95] : memref<1000x1024xf32, #tpu.memory_space<vmem>>, vector<1000x1024xf32>
      %reduce_sum3A = arith.constant dense<0.000000e+00> : vector<1024xf32>
      %reduce_sum3A_97 = vector.multi_reduction <add>, %get3A_96, %reduce_sum3A [0] : vector<1000x1024xf32> to vector<1024xf32>
      %broadcast_in_dim3A_98 = vector.shape_cast %reduce_sum3A_97 : vector<1024xf32> to vector<1x1024xf32>
      %max3A_99 = arith.constant 1.000000e+00 : f32
      %max3A_100 = vector.broadcast %max3A_99 : f32 to vector<1x1024xf32>
      %max3A_101 = arith.maximumf %broadcast_in_dim3A_98, %max3A_100 : vector<1x1024xf32>
      %div3A_102 = arith.constant 1.000000e+00 : f32
      %div3A_103 = vector.broadcast %div3A_102 : f32 to vector<1x1024xf32>
      %div3A_104 = arith.divf %div3A_103, %max3A_101 : vector<1x1024xf32>
      %swap3A_105 = arith.constant 0 : index
      %swap3A_106 = arith.constant 0 : index
      %swap3A_107 = vector.load %arg7[%swap3A_105, %swap3A_106] : memref<1x1024xf32, #tpu.memory_space<vmem>>, vector<1x1024xf32>
      tpu.vector_store %arg7[%swap3A_105, %swap3A_106], %div3A_104 {strides = array<i32>} : memref<1x1024xf32, #tpu.memory_space<vmem>>, vector<1x1024xf32>,
      %get3A_108 = arith.constant 0 : index
      %get3A_109 = arith.constant 0 : index
      %get3A_110 = vector.load %arg3[%get3A_108, %get3A_109] : memref<1000x1024xf32, #tpu.memory_space<vmem>>, vector<1000x1024xf32>
      %reduce_sum3A_111 = arith.constant dense<0.000000e+00> : vector<1024xf32>
      %reduce_sum3A_112 = vector.multi_reduction <add>, %get3A_110, %reduce_sum3A_111 [0] : vector<1000x1024xf32> to vector<1024xf32>
      %broadcast_in_dim3A_113 = vector.shape_cast %reduce_sum3A_112 : vector<1024xf32> to vector<1x1024xf32>
      %max3A_114 = arith.constant 1.000000e+00 : f32
      %max3A_115 = vector.broadcast %max3A_114 : f32 to vector<1x1024xf32>
      %max3A_116 = arith.maximumf %broadcast_in_dim3A_113, %max3A_115 : vector<1x1024xf32>
      %div3A_117 = arith.constant 1.000000e+00 : f32
      %div3A_118 = vector.broadcast %div3A_117 : f32 to vector<1x1024xf32>
      %div3A_119 = arith.divf %div3A_118, %max3A_116 : vector<1x1024xf32>
      %swap3A_120 = arith.constant 0 : index
      %swap3A_121 = arith.constant 0 : index
      %swap3A_122 = vector.load %arg8[%swap3A_120, %swap3A_121] : memref<1x1024xf32, #tpu.memory_space<vmem>>, vector<1x1024xf32>
      tpu.vector_store %arg8[%swap3A_120, %swap3A_121], %div3A_119 {strides = array<i32>} : memref<1x1024xf32, #tpu.memory_space<vmem>>, vector<1x1024xf32>,
      %get3A_123 = arith.constant 0 : index
      %get3A_124 = arith.constant 0 : index
      %get3A_125 = vector.load %arg2[%get3A_123, %get3A_124] : memref<1000x1024xf32, #tpu.memory_space<vmem>>, vector<1000x1024xf32>
      %convert_element_type3A_126 = arith.truncf %get3A_125 : vector<1000x1024xf32> to vector<1000x1024xbf16>
      %swap3A_127 = arith.constant 0 : index
      %swap3A_128 = arith.constant 0 : index
      %swap3A_129 = vector.load %arg9[%swap3A_127, %swap3A_128] : memref<1000x1024xbf16, #tpu.memory_space<vmem>>, vector<1000x1024xbf16>
      tpu.vector_store %arg9[%swap3A_127, %swap3A_128], %convert_element_type3A_126 {strides = array<i32>} : memref<1000x1024xbf16, #tpu.memory_space<vmem>>, vector<1000x1024xbf16>,
      %get3A_130 = arith.constant 0 : index
      %get3A_131 = arith.constant 0 : index
      %get3A_132 = vector.load %arg3[%get3A_130, %get3A_131] : memref<1000x1024xf32, #tpu.memory_space<vmem>>, vector<1000x1024xf32>
      %convert_element_type3A_133 = arith.truncf %get3A_132 : vector<1000x1024xf32> to vector<1000x1024xbf16>
      %swap3A_134 = arith.constant 0 : index
      %swap3A_135 = arith.constant 0 : index
      %swap3A_136 = vector.load %arg10[%swap3A_134, %swap3A_135] : memref<1000x1024xbf16, #tpu.memory_space<vmem>>, vector<1000x1024xbf16>
      tpu.vector_store %arg10[%swap3A_134, %swap3A_135], %convert_element_type3A_133 {strides = array<i32>} : memref<1000x1024xbf16, #tpu.memory_space<vmem>>, vector<1000x1024xbf16>,
      %iota3A = tpu.iota {dimensions = array<i32: 1>} : vector<128x2048xi32>
      %iota3A_137 = tpu.iota {dimensions = array<i32: 0>} : vector<128x2048xi32>
      %add3A_138 = arith.constant 0 : i32
      %add3A_139 = vector.broadcast %add3A_138 : i32 to vector<128x2048xi32>
      %add3A_140 = arith.addi %iota3A_137, %add3A_139 : vector<128x2048xi32>
      %mul3A_141 = arith.constant 2 : i32
      %mul3A_142 = vector.broadcast %mul3A_141 : i32 to vector<128x2048xi32>
      %mul3A_143 = arith.muli %mul3A_142, %add3A_140 : vector<128x2048xi32>
      %eq3A_144 = arith.cmpi eq, %iota3A, %mul3A_143 : vector<128x2048xi32>
      %convert_element_type3A_145 = arith.extui %eq3A_144 : vector<128x2048xi1> to vector<128x2048xi32>
      %convert_element_type3A_146 = arith.sitofp %convert_element_type3A_145 : vector<128x2048xi32> to vector<128x2048xf32>
      %convert_element_type3A_147 = arith.truncf %convert_element_type3A_146 : vector<128x2048xf32> to vector<128x2048xbf16>
      %swap3A_148 = arith.constant 0 : index
      %swap3A_149 = arith.constant 0 : index
      %swap3A_150 = vector.load %arg11[%swap3A_148, %swap3A_149] : memref<1024x2048xbf16, #tpu.memory_space<vmem>>, vector<128x2048xbf16>
      tpu.vector_store %arg11[%swap3A_148, %swap3A_149], %convert_element_type3A_147 {strides = array<i32>} : memref<1024x2048xbf16, #tpu.memory_space<vmem>>, vector<128x2048xbf16>,
      %mul3A_151 = arith.constant 2 : i32
      %mul3A_152 = vector.broadcast %mul3A_151 : i32 to vector<128x2048xi32>
      %mul3A_153 = arith.muli %mul3A_152, %add3A_140 : vector<128x2048xi32>
      %add3A_154 = arith.constant 1 : i32
      %add3A_155 = vector.broadcast %add3A_154 : i32 to vector<128x2048xi32>
      %add3A_156 = arith.addi %mul3A_153, %add3A_155 : vector<128x2048xi32>
      %eq3A_157 = arith.cmpi eq, %iota3A, %add3A_156 : vector<128x2048xi32>
      %convert_element_type3A_158 = arith.extui %eq3A_157 : vector<128x2048xi1> to vector<128x2048xi32>
      %convert_element_type3A_159 = arith.sitofp %convert_element_type3A_158 : vector<128x2048xi32> to vector<128x2048xf32>
      %convert_element_type3A_160 = arith.truncf %convert_element_type3A_159 : vector<128x2048xf32> to vector<128x2048xbf16>
      %swap3A_161 = arith.constant 0 : index
      %swap3A_162 = arith.constant 0 : index
      %swap3A_163 = vector.load %arg12[%swap3A_161, %swap3A_162] : memref<1024x2048xbf16, #tpu.memory_space<vmem>>, vector<128x2048xbf16>
      tpu.vector_store %arg12[%swap3A_161, %swap3A_162], %convert_element_type3A_160 {strides = array<i32>} : memref<1024x2048xbf16, #tpu.memory_space<vmem>>, vector<128x2048xbf16>,
      %iota3A_164 = tpu.iota {dimensions = array<i32: 1>} : vector<128x2048xi32>
      %iota3A_165 = tpu.iota {dimensions = array<i32: 0>} : vector<128x2048xi32>
      %add3A_166 = arith.constant 128 : i32
      %add3A_167 = vector.broadcast %add3A_166 : i32 to vector<128x2048xi32>
      %add3A_168 = arith.addi %iota3A_165, %add3A_167 : vector<128x2048xi32>
      %mul3A_169 = arith.constant 2 : i32
      %mul3A_170 = vector.broadcast %mul3A_169 : i32 to vector<128x2048xi32>
      %mul3A_171 = arith.muli %mul3A_170, %add3A_168 : vector<128x2048xi32>
      %eq3A_172 = arith.cmpi eq, %iota3A_164, %mul3A_171 : vector<128x2048xi32>
      %convert_element_type3A_173 = arith.extui %eq3A_172 : vector<128x2048xi1> to vector<128x2048xi32>
      %convert_element_type3A_174 = arith.sitofp %convert_element_type3A_173 : vector<128x2048xi32> to vector<128x2048xf32>
      %convert_element_type3A_175 = arith.truncf %convert_element_type3A_174 : vector<128x2048xf32> to vector<128x2048xbf16>
      %swap3A_176 = arith.constant 128 : index
      %swap3A_177 = arith.constant 0 : index
      %swap3A_178 = vector.load %arg11[%swap3A_176, %swap3A_177] : memref<1024x2048xbf16, #tpu.memory_space<vmem>>, vector<128x2048xbf16>
      tpu.vector_store %arg11[%swap3A_176, %swap3A_177], %convert_element_type3A_175 {strides = array<i32>} : memref<1024x2048xbf16, #tpu.memory_space<vmem>>, vector<128x2048xbf16>,
      %mul3A_179 = arith.constant 2 : i32
      %mul3A_180 = vector.broadcast %mul3A_179 : i32 to vector<128x2048xi32>
      %mul3A_181 = arith.muli %mul3A_180, %add3A_168 : vector<128x2048xi32>
      %add3A_182 = arith.constant 1 : i32
      %add3A_183 = vector.broadcast %add3A_182 : i32 to vector<128x2048xi32>
      %add3A_184 = arith.addi %mul3A_181, %add3A_183 : vector<128x2048xi32>
      %eq3A_185 = arith.cmpi eq, %iota3A_164, %add3A_184 : vector<128x2048xi32>
      %convert_element_type3A_186 = arith.extui %eq3A_185 : vector<128x2048xi1> to vector<128x2048xi32>
      %convert_element_type3A_187 = arith.sitofp %convert_element_type3A_186 : vector<128x2048xi32> to vector<128x2048xf32>
      %convert_element_type3A_188 = arith.truncf %convert_element_type3A_187 : vector<128x2048xf32> to vector<128x2048xbf16>
      %swap3A_189 = arith.constant 128 : index
      %swap3A_190 = arith.constant 0 : index
      %swap3A_191 = vector.load %arg12[%swap3A_189, %swap3A_190] : memref<1024x2048xbf16, #tpu.memory_space<vmem>>, vector<128x2048xbf16>
      tpu.vector_store %arg12[%swap3A_189, %swap3A_190], %convert_element_type3A_188 {strides = array<i32>} : memref<1024x2048xbf16, #tpu.memory_space<vmem>>, vector<128x2048xbf16>,
      %iota3A_192 = tpu.iota {dimensions = array<i32: 1>} : vector<128x2048xi32>
      %iota3A_193 = tpu.iota {dimensions = array<i32: 0>} : vector<128x2048xi32>
      %add3A_194 = arith.constant 256 : i32
      %add3A_195 = vector.broadcast %add3A_194 : i32 to vector<128x2048xi32>
      %add3A_196 = arith.addi %iota3A_193, %add3A_195 : vector<128x2048xi32>
      %mul3A_197 = arith.constant 2 : i32
      %mul3A_198 = vector.broadcast %mul3A_197 : i32 to vector<128x2048xi32>
      %mul3A_199 = arith.muli %mul3A_198, %add3A_196 : vector<128x2048xi32>
      %eq3A_200 = arith.cmpi eq, %iota3A_192, %mul3A_199 : vector<128x2048xi32>
      %convert_element_type3A_201 = arith.extui %eq3A_200 : vector<128x2048xi1> to vector<128x2048xi32>
      %convert_element_type3A_202 = arith.sitofp %convert_element_type3A_201 : vector<128x2048xi32> to vector<128x2048xf32>
      %convert_element_type3A_203 = arith.truncf %convert_element_type3A_202 : vector<128x2048xf32> to vector<128x2048xbf16>
      %swap3A_204 = arith.constant 256 : index
      %swap3A_205 = arith.constant 0 : index
      %swap3A_206 = vector.load %arg11[%swap3A_204, %swap3A_205] : memref<1024x2048xbf16, #tpu.memory_space<vmem>>, vector<128x2048xbf16>
      tpu.vector_store %arg11[%swap3A_204, %swap3A_205], %convert_element_type3A_203 {strides = array<i32>} : memref<1024x2048xbf16, #tpu.memory_space<vmem>>, vector<128x2048xbf16>,
      %mul3A_207 = arith.constant 2 : i32
      %mul3A_208 = vector.broadcast %mul3A_207 : i32 to vector<128x2048xi32>
      %mul3A_209 = arith.muli %mul3A_208, %add3A_196 : vector<128x2048xi32>
      %add3A_210 = arith.constant 1 : i32
      %add3A_211 = vector.broadcast %add3A_210 : i32 to vector<128x2048xi32>
      %add3A_212 = arith.addi %mul3A_209, %add3A_211 : vector<128x2048xi32>
      %eq3A_213 = arith.cmpi eq, %iota3A_192, %add3A_212 : vector<128x2048xi32>
      %convert_element_type3A_214 = arith.extui %eq3A_213 : vector<128x2048xi1> to vector<128x2048xi32>
      %convert_element_type3A_215 = arith.sitofp %convert_element_type3A_214 : vector<128x2048xi32> to vector<128x2048xf32>
      %convert_element_type3A_216 = arith.truncf %convert_element_type3A_215 : vector<128x2048xf32> to vector<128x2048xbf16>
      %swap3A_217 = arith.constant 256 : index
      %swap3A_218 = arith.constant 0 : index
      %swap3A_219 = vector.load %arg12[%swap3A_217, %swap3A_218] : memref<1024x2048xbf16, #tpu.memory_space<vmem>>, vector<128x2048xbf16>
      tpu.vector_store %arg12[%swap3A_217, %swap3A_218], %convert_element_type3A_216 {strides = array<i32>} : memref<1024x2048xbf16, #tpu.memory_space<vmem>>, vector<128x2048xbf16>,
      %iota3A_220 = tpu.iota {dimensions = array<i32: 1>} : vector<128x2048xi32>
      %iota3A_221 = tpu.iota {dimensions = array<i32: 0>} : vector<128x2048xi32>
      %add3A_222 = arith.constant 384 : i32
      %add3A_223 = vector.broadcast %add3A_222 : i32 to vector<128x2048xi32>
      %add3A_224 = arith.addi %iota3A_221, %add3A_223 : vector<128x2048xi32>
      %mul3A_225 = arith.constant 2 : i32
      %mul3A_226 = vector.broadcast %mul3A_225 : i32 to vector<128x2048xi32>
      %mul3A_227 = arith.muli %mul3A_226, %add3A_224 : vector<128x2048xi32>
      %eq3A_228 = arith.cmpi eq, %iota3A_220, %mul3A_227 : vector<128x2048xi32>
      %convert_element_type3A_229 = arith.extui %eq3A_228 : vector<128x2048xi1> to vector<128x2048xi32>
      %convert_element_type3A_230 = arith.sitofp %convert_element_type3A_229 : vector<128x2048xi32> to vector<128x2048xf32>
      %convert_element_type3A_231 = arith.truncf %convert_element_type3A_230 : vector<128x2048xf32> to vector<128x2048xbf16>
      %swap3A_232 = arith.constant 384 : index
      %swap3A_233 = arith.constant 0 : index
      %swap3A_234 = vector.load %arg11[%swap3A_232, %swap3A_233] : memref<1024x2048xbf16, #tpu.memory_space<vmem>>, vector<128x2048xbf16>
      tpu.vector_store %arg11[%swap3A_232, %swap3A_233], %convert_element_type3A_231 {strides = array<i32>} : memref<1024x2048xbf16, #tpu.memory_space<vmem>>, vector<128x2048xbf16>,
      %mul3A_235 = arith.constant 2 : i32
      %mul3A_236 = vector.broadcast %mul3A_235 : i32 to vector<128x2048xi32>
      %mul3A_237 = arith.muli %mul3A_236, %add3A_224 : vector<128x2048xi32>
      %add3A_238 = arith.constant 1 : i32
      %add3A_239 = vector.broadcast %add3A_238 : i32 to vector<128x2048xi32>
      %add3A_240 = arith.addi %mul3A_237, %add3A_239 : vector<128x2048xi32>
      %eq3A_241 = arith.cmpi eq, %iota3A_220, %add3A_240 : vector<128x2048xi32>
      %convert_element_type3A_242 = arith.extui %eq3A_241 : vector<128x2048xi1> to vector<128x2048xi32>
      %convert_element_type3A_243 = arith.sitofp %convert_element_type3A_242 : vector<128x2048xi32> to vector<128x2048xf32>
      %convert_element_type3A_244 = arith.truncf %convert_element_type3A_243 : vector<128x2048xf32> to vector<128x2048xbf16>
      %swap3A_245 = arith.constant 384 : index
      %swap3A_246 = arith.constant 0 : index
      %swap3A_247 = vector.load %arg12[%swap3A_245, %swap3A_246] : memref<1024x2048xbf16, #tpu.memory_space<vmem>>, vector<128x2048xbf16>
      tpu.vector_store %arg12[%swap3A_245, %swap3A_246], %convert_element_type3A_244 {strides = array<i32>} : memref<1024x2048xbf16, #tpu.memory_space<vmem>>, vector<128x2048xbf16>,
      %iota3A_248 = tpu.iota {dimensions = array<i32: 1>} : vector<128x2048xi32>
      %iota3A_249 = tpu.iota {dimensions = array<i32: 0>} : vector<128x2048xi32>
      %add3A_250 = arith.constant 512 : i32
      %add3A_251 = vector.broadcast %add3A_250 : i32 to vector<128x2048xi32>
      %add3A_252 = arith.addi %iota3A_249, %add3A_251 : vector<128x2048xi32>
      %mul3A_253 = arith.constant 2 : i32
      %mul3A_254 = vector.broadcast %mul3A_253 : i32 to vector<128x2048xi32>
      %mul3A_255 = arith.muli %mul3A_254, %add3A_252 : vector<128x2048xi32>
      %eq3A_256 = arith.cmpi eq, %iota3A_248, %mul3A_255 : vector<128x2048xi32>
      %convert_element_type3A_257 = arith.extui %eq3A_256 : vector<128x2048xi1> to vector<128x2048xi32>
      %convert_element_type3A_258 = arith.sitofp %convert_element_type3A_257 : vector<128x2048xi32> to vector<128x2048xf32>
      %convert_element_type3A_259 = arith.truncf %convert_element_type3A_258 : vector<128x2048xf32> to vector<128x2048xbf16>
      %swap3A_260 = arith.constant 512 : index
      %swap3A_261 = arith.constant 0 : index
      %swap3A_262 = vector.load %arg11[%swap3A_260, %swap3A_261] : memref<1024x2048xbf16, #tpu.memory_space<vmem>>, vector<128x2048xbf16>
      tpu.vector_store %arg11[%swap3A_260, %swap3A_261], %convert_element_type3A_259 {strides = array<i32>} : memref<1024x2048xbf16, #tpu.memory_space<vmem>>, vector<128x2048xbf16>,
      %mul3A_263 = arith.constant 2 : i32
      %mul3A_264 = vector.broadcast %mul3A_263 : i32 to vector<128x2048xi32>
      %mul3A_265 = arith.muli %mul3A_264, %add3A_252 : vector<128x2048xi32>
      %add3A_266 = arith.constant 1 : i32
      %add3A_267 = vector.broadcast %add3A_266 : i32 to vector<128x2048xi32>
      %add3A_268 = arith.addi %mul3A_265, %add3A_267 : vector<128x2048xi32>
      %eq3A_269 = arith.cmpi eq, %iota3A_248, %add3A_268 : vector<128x2048xi32>
      %convert_element_type3A_270 = arith.extui %eq3A_269 : vector<128x2048xi1> to vector<128x2048xi32>
      %convert_element_type3A_271 = arith.sitofp %convert_element_type3A_270 : vector<128x2048xi32> to vector<128x2048xf32>
      %convert_element_type3A_272 = arith.truncf %convert_element_type3A_271 : vector<128x2048xf32> to vector<128x2048xbf16>
      %swap3A_273 = arith.constant 512 : index
      %swap3A_274 = arith.constant 0 : index
      %swap3A_275 = vector.load %arg12[%swap3A_273, %swap3A_274] : memref<1024x2048xbf16, #tpu.memory_space<vmem>>, vector<128x2048xbf16>
      tpu.vector_store %arg12[%swap3A_273, %swap3A_274], %convert_element_type3A_272 {strides = array<i32>} : memref<1024x2048xbf16, #tpu.memory_space<vmem>>, vector<128x2048xbf16>,
      %iota3A_276 = tpu.iota {dimensions = array<i32: 1>} : vector<128x2048xi32>
      %iota3A_277 = tpu.iota {dimensions = array<i32: 0>} : vector<128x2048xi32>
      %add3A_278 = arith.constant 640 : i32
      %add3A_279 = vector.broadcast %add3A_278 : i32 to vector<128x2048xi32>
      %add3A_280 = arith.addi %iota3A_277, %add3A_279 : vector<128x2048xi32>
      %mul3A_281 = arith.constant 2 : i32
      %mul3A_282 = vector.broadcast %mul3A_281 : i32 to vector<128x2048xi32>
      %mul3A_283 = arith.muli %mul3A_282, %add3A_280 : vector<128x2048xi32>
      %eq3A_284 = arith.cmpi eq, %iota3A_276, %mul3A_283 : vector<128x2048xi32>
      %convert_element_type3A_285 = arith.extui %eq3A_284 : vector<128x2048xi1> to vector<128x2048xi32>
      %convert_element_type3A_286 = arith.sitofp %convert_element_type3A_285 : vector<128x2048xi32> to vector<128x2048xf32>
      %convert_element_type3A_287 = arith.truncf %convert_element_type3A_286 : vector<128x2048xf32> to vector<128x2048xbf16>
      %swap3A_288 = arith.constant 640 : index
      %swap3A_289 = arith.constant 0 : index
      %swap3A_290 = vector.load %arg11[%swap3A_288, %swap3A_289] : memref<1024x2048xbf16, #tpu.memory_space<vmem>>, vector<128x2048xbf16>
      tpu.vector_store %arg11[%swap3A_288, %swap3A_289], %convert_element_type3A_287 {strides = array<i32>} : memref<1024x2048xbf16, #tpu.memory_space<vmem>>, vector<128x2048xbf16>,
      %mul3A_291 = arith.constant 2 : i32
      %mul3A_292 = vector.broadcast %mul3A_291 : i32 to vector<128x2048xi32>
      %mul3A_293 = arith.muli %mul3A_292, %add3A_280 : vector<128x2048xi32>
      %add3A_294 = arith.constant 1 : i32
      %add3A_295 = vector.broadcast %add3A_294 : i32 to vector<128x2048xi32>
      %add3A_296 = arith.addi %mul3A_293, %add3A_295 : vector<128x2048xi32>
      %eq3A_297 = arith.cmpi eq, %iota3A_276, %add3A_296 : vector<128x2048xi32>
      %convert_element_type3A_298 = arith.extui %eq3A_297 : vector<128x2048xi1> to vector<128x2048xi32>
      %convert_element_type3A_299 = arith.sitofp %convert_element_type3A_298 : vector<128x2048xi32> to vector<128x2048xf32>
      %convert_element_type3A_300 = arith.truncf %convert_element_type3A_299 : vector<128x2048xf32> to vector<128x2048xbf16>
      %swap3A_301 = arith.constant 640 : index
      %swap3A_302 = arith.constant 0 : index
      %swap3A_303 = vector.load %arg12[%swap3A_301, %swap3A_302] : memref<1024x2048xbf16, #tpu.memory_space<vmem>>, vector<128x2048xbf16>
      tpu.vector_store %arg12[%swap3A_301, %swap3A_302], %convert_element_type3A_300 {strides = array<i32>} : memref<1024x2048xbf16, #tpu.memory_space<vmem>>, vector<128x2048xbf16>,
      %iota3A_304 = tpu.iota {dimensions = array<i32: 1>} : vector<128x2048xi32>
      %iota3A_305 = tpu.iota {dimensions = array<i32: 0>} : vector<128x2048xi32>
      %add3A_306 = arith.constant 768 : i32
      %add3A_307 = vector.broadcast %add3A_306 : i32 to vector<128x2048xi32>
      %add3A_308 = arith.addi %iota3A_305, %add3A_307 : vector<128x2048xi32>
      %mul3A_309 = arith.constant 2 : i32
      %mul3A_310 = vector.broadcast %mul3A_309 : i32 to vector<128x2048xi32>
      %mul3A_311 = arith.muli %mul3A_310, %add3A_308 : vector<128x2048xi32>
      %eq3A_312 = arith.cmpi eq, %iota3A_304, %mul3A_311 : vector<128x2048xi32>
      %convert_element_type3A_313 = arith.extui %eq3A_312 : vector<128x2048xi1> to vector<128x2048xi32>
      %convert_element_type3A_314 = arith.sitofp %convert_element_type3A_313 : vector<128x2048xi32> to vector<128x2048xf32>
      %convert_element_type3A_315 = arith.truncf %convert_element_type3A_314 : vector<128x2048xf32> to vector<128x2048xbf16>
      %swap3A_316 = arith.constant 768 : index
      %swap3A_317 = arith.constant 0 : index
      %swap3A_318 = vector.load %arg11[%swap3A_316, %swap3A_317] : memref<1024x2048xbf16, #tpu.memory_space<vmem>>, vector<128x2048xbf16>
      tpu.vector_store %arg11[%swap3A_316, %swap3A_317], %convert_element_type3A_315 {strides = array<i32>} : memref<1024x2048xbf16, #tpu.memory_space<vmem>>, vector<128x2048xbf16>,
      %mul3A_319 = arith.constant 2 : i32
      %mul3A_320 = vector.broadcast %mul3A_319 : i32 to vector<128x2048xi32>
      %mul3A_321 = arith.muli %mul3A_320, %add3A_308 : vector<128x2048xi32>
      %add3A_322 = arith.constant 1 : i32
      %add3A_323 = vector.broadcast %add3A_322 : i32 to vector<128x2048xi32>
      %add3A_324 = arith.addi %mul3A_321, %add3A_323 : vector<128x2048xi32>
      %eq3A_325 = arith.cmpi eq, %iota3A_304, %add3A_324 : vector<128x2048xi32>
      %convert_element_type3A_326 = arith.extui %eq3A_325 : vector<128x2048xi1> to vector<128x2048xi32>
      %convert_element_type3A_327 = arith.sitofp %convert_element_type3A_326 : vector<128x2048xi32> to vector<128x2048xf32>
      %convert_element_type3A_328 = arith.truncf %convert_element_type3A_327 : vector<128x2048xf32> to vector<128x2048xbf16>
      %swap3A_329 = arith.constant 768 : index
      %swap3A_330 = arith.constant 0 : index
      %swap3A_331 = vector.load %arg12[%swap3A_329, %swap3A_330] : memref<1024x2048xbf16, #tpu.memory_space<vmem>>, vector<128x2048xbf16>
      tpu.vector_store %arg12[%swap3A_329, %swap3A_330], %convert_element_type3A_328 {strides = array<i32>} : memref<1024x2048xbf16, #tpu.memory_space<vmem>>, vector<128x2048xbf16>,
      %iota3A_332 = tpu.iota {dimensions = array<i32: 1>} : vector<128x2048xi32>
      %iota3A_333 = tpu.iota {dimensions = array<i32: 0>} : vector<128x2048xi32>
      %add3A_334 = arith.constant 896 : i32
      %add3A_335 = vector.broadcast %add3A_334 : i32 to vector<128x2048xi32>
      %add3A_336 = arith.addi %iota3A_333, %add3A_335 : vector<128x2048xi32>
      %mul3A_337 = arith.constant 2 : i32
      %mul3A_338 = vector.broadcast %mul3A_337 : i32 to vector<128x2048xi32>
      %mul3A_339 = arith.muli %mul3A_338, %add3A_336 : vector<128x2048xi32>
      %eq3A_340 = arith.cmpi eq, %iota3A_332, %mul3A_339 : vector<128x2048xi32>
      %convert_element_type3A_341 = arith.extui %eq3A_340 : vector<128x2048xi1> to vector<128x2048xi32>
      %convert_element_type3A_342 = arith.sitofp %convert_element_type3A_341 : vector<128x2048xi32> to vector<128x2048xf32>
      %convert_element_type3A_343 = arith.truncf %convert_element_type3A_342 : vector<128x2048xf32> to vector<128x2048xbf16>
      %swap3A_344 = arith.constant 896 : index
      %swap3A_345 = arith.constant 0 : index
      %swap3A_346 = vector.load %arg11[%swap3A_344, %swap3A_345] : memref<1024x2048xbf16, #tpu.memory_space<vmem>>, vector<128x2048xbf16>
      tpu.vector_store %arg11[%swap3A_344, %swap3A_345], %convert_element_type3A_343 {strides = array<i32>} : memref<1024x2048xbf16, #tpu.memory_space<vmem>>, vector<128x2048xbf16>,
      %mul3A_347 = arith.constant 2 : i32
      %mul3A_348 = vector.broadcast %mul3A_347 : i32 to vector<128x2048xi32>
      %mul3A_349 = arith.muli %mul3A_348, %add3A_336 : vector<128x2048xi32>
      %add3A_350 = arith.constant 1 : i32
      %add3A_351 = vector.broadcast %add3A_350 : i32 to vector<128x2048xi32>
      %add3A_352 = arith.addi %mul3A_349, %add3A_351 : vector<128x2048xi32>
      %eq3A_353 = arith.cmpi eq, %iota3A_332, %add3A_352 : vector<128x2048xi32>
      %convert_element_type3A_354 = arith.extui %eq3A_353 : vector<128x2048xi1> to vector<128x2048xi32>
      %convert_element_type3A_355 = arith.sitofp %convert_element_type3A_354 : vector<128x2048xi32> to vector<128x2048xf32>
      %convert_element_type3A_356 = arith.truncf %convert_element_type3A_355 : vector<128x2048xf32> to vector<128x2048xbf16>
      %swap3A_357 = arith.constant 896 : index
      %swap3A_358 = arith.constant 0 : index
      %swap3A_359 = vector.load %arg12[%swap3A_357, %swap3A_358] : memref<1024x2048xbf16, #tpu.memory_space<vmem>>, vector<128x2048xbf16>
      tpu.vector_store %arg12[%swap3A_357, %swap3A_358], %convert_element_type3A_356 {strides = array<i32>} : memref<1024x2048xbf16, #tpu.memory_space<vmem>>, vector<128x2048xbf16>,
    } else {
    }
    %get3A = arith.constant 0 : index
    %get3A_2 = arith.constant 0 : index
    %get3A_3 = vector.load %arg1[%get3A, %get3A_2] : memref<256x1000xf32, #tpu.memory_space<vmem>>, vector<256x1000xf32>
    %convert_element_type3A_4 = arith.truncf %get3A_3 : vector<256x1000xf32> to vector<256x1000xbf16>
    %convert_element_type3A_5 = arith.extf %convert_element_type3A_4 : vector<256x1000xbf16> to vector<256x1000xf32>
    %sub3A = arith.subf %get3A_3, %convert_element_type3A_5 : vector<256x1000xf32>
    %convert_element_type3A_6 = arith.truncf %sub3A : vector<256x1000xf32> to vector<256x1000xbf16>
    %get3A_7 = arith.constant 0 : index
    %get3A_8 = arith.constant 0 : index
    %get3A_9 = vector.load %arg9[%get3A_7, %get3A_8] : memref<1000x1024xbf16, #tpu.memory_space<vmem>>, vector<1000x1024xbf16>
    %get3A_10 = arith.constant 0 : index
    %get3A_11 = arith.constant 0 : index
    %get3A_12 = vector.load %arg10[%get3A_10, %get3A_11] : memref<1000x1024xbf16, #tpu.memory_space<vmem>>, vector<1000x1024xbf16>
    %dot_general3A = arith.constant dense<0.000000e+00> : vector<256x1024xf32>
    %dot_general3A_13 = tpu.matmul %convert_element_type3A_4, %get3A_9, %dot_general3A {dimension_numbers = #tpu.dot_dimension_numbers<[1], [0], [0], [1], [0, 0, 1, 1], [], []>, transpose_lhs_hint = false} : vector<256x1000xbf16>, vector<1000x1024xbf16>, vector<256x1024xf32> -> vector<256x1024xf32>
    %dot_general3A_14 = arith.constant dense<0.000000e+00> : vector<256x1024xf32>
    %dot_general3A_15 = tpu.matmul %convert_element_type3A_6, %get3A_9, %dot_general3A_14 {dimension_numbers = #tpu.dot_dimension_numbers<[1], [0], [0], [1], [0, 0, 1, 1], [], []>, transpose_lhs_hint = false} : vector<256x1000xbf16>, vector<1000x1024xbf16>, vector<256x1024xf32> -> vector<256x1024xf32>
    %add3A = arith.addf %dot_general3A_13, %dot_general3A_15 : vector<256x1024xf32>
    %get3A_16 = arith.constant 0 : index
    %get3A_17 = arith.constant 0 : index
    %get3A_18 = vector.load %arg7[%get3A_16, %get3A_17] : memref<1x1024xf32, #tpu.memory_space<vmem>>, vector<1x1024xf32>
    %mul3A = vector.broadcast %get3A_18 : vector<1x1024xf32> to vector<256x1024xf32>
    %mul3A_19 = arith.mulf %add3A, %mul3A : vector<256x1024xf32>
    %dot_general3A_20 = arith.constant dense<0.000000e+00> : vector<256x1024xf32>
    %dot_general3A_21 = tpu.matmul %convert_element_type3A_4, %get3A_12, %dot_general3A_20 {dimension_numbers = #tpu.dot_dimension_numbers<[1], [0], [0], [1], [0, 0, 1, 1], [], []>, transpose_lhs_hint = false} : vector<256x1000xbf16>, vector<1000x1024xbf16>, vector<256x1024xf32> -> vector<256x1024xf32>
    %dot_general3A_22 = arith.constant dense<0.000000e+00> : vector<256x1024xf32>
    %dot_general3A_23 = tpu.matmul %convert_element_type3A_6, %get3A_12, %dot_general3A_22 {dimension_numbers = #tpu.dot_dimension_numbers<[1], [0], [0], [1], [0, 0, 1, 1], [], []>, transpose_lhs_hint = false} : vector<256x1000xbf16>, vector<1000x1024xbf16>, vector<256x1024xf32> -> vector<256x1024xf32>
    %add3A_24 = arith.addf %dot_general3A_21, %dot_general3A_23 : vector<256x1024xf32>
    %get3A_25 = arith.constant 0 : index
    %get3A_26 = arith.constant 0 : index
    %get3A_27 = vector.load %arg8[%get3A_25, %get3A_26] : memref<1x1024xf32, #tpu.memory_space<vmem>>, vector<1x1024xf32>
    %mul3A_28 = vector.broadcast %get3A_27 : vector<1x1024xf32> to vector<256x1024xf32>
    %mul3A_29 = arith.mulf %add3A_24, %mul3A_28 : vector<256x1024xf32>
    %gt3A = arith.cmpf ogt, %mul3A_29, %mul3A_19 : vector<256x1024xf32>
    %jit3A = arith.constant 1 : i32
    %jit3A_30 = arith.constant 0 : i32
    %broadcast_in_dim3A = vector.broadcast %jit3A : i32 to vector<256x1024xi32>
    %broadcast_in_dim3A_31 = vector.broadcast %jit3A_30 : i32 to vector<256x1024xi32>
    %select_n3A = arith.select %gt3A, %broadcast_in_dim3A, %broadcast_in_dim3A_31 : vector<256x1024xi1>, vector<256x1024xi32>
    %slice3A = vector.extract_strided_slice %select_n3A {offsets = [0, 0], sizes = [256, 999], strides = [1, 1]} : vector<256x1024xi32> to vector<256x999xi32>
    %swap3A = arith.constant 0 : index
    %swap3A_32 = arith.constant 0 : index
    %swap3A_33 = vector.load %arg6[%swap3A, %swap3A_32] : memref<256x999xi32, #tpu.memory_space<vmem>>, vector<256x999xi32>
    tpu.vector_store %arg6[%swap3A, %swap3A_32], %slice3A {strides = array<i32>} : memref<256x999xi32, #tpu.memory_space<vmem>>, vector<256x999xi32>,
    %max3A = arith.maximumf %mul3A_19, %mul3A_29 : vector<256x1024xf32>
    %sub3A_34 = arith.subf %mul3A_19, %max3A : vector<256x1024xf32>
    %exp3A = math.exp %sub3A_34 : vector<256x1024xf32>
    %sub3A_35 = arith.subf %mul3A_29, %max3A : vector<256x1024xf32>
    %exp3A_36 = math.exp %sub3A_35 : vector<256x1024xf32>
    %add3A_37 = arith.addf %exp3A, %exp3A_36 : vector<256x1024xf32>
    %div3A = arith.constant 1.000000e+00 : f32
    %div3A_38 = vector.broadcast %div3A : f32 to vector<256x1024xf32>
    %div3A_39 = arith.divf %div3A_38, %add3A_37 : vector<256x1024xf32>
    %mul3A_40 = arith.mulf %exp3A, %div3A_39 : vector<256x1024xf32>
    %mul3A_41 = arith.mulf %exp3A_36, %div3A_39 : vector<256x1024xf32>
    %get3A_42 = arith.constant 0 : index
    %get3A_43 = arith.constant 0 : index
    %get3A_44 = vector.load %arg11[%get3A_42, %get3A_43] : memref<1024x2048xbf16, #tpu.memory_space<vmem>>, vector<1024x2048xbf16>
    %get3A_45 = arith.constant 0 : index
    %get3A_46 = arith.constant 0 : index
    %get3A_47 = vector.load %arg12[%get3A_45, %get3A_46] : memref<1024x2048xbf16, #tpu.memory_space<vmem>>, vector<1024x2048xbf16>
    %convert_element_type3A_48 = arith.truncf %mul3A_19 : vector<256x1024xf32> to vector<256x1024xbf16>
    %convert_element_type3A_49 = arith.extf %convert_element_type3A_48 : vector<256x1024xbf16> to vector<256x1024xf32>
    %sub3A_50 = arith.subf %mul3A_19, %convert_element_type3A_49 : vector<256x1024xf32>
    %convert_element_type3A_51 = arith.truncf %sub3A_50 : vector<256x1024xf32> to vector<256x1024xbf16>
    %convert_element_type3A_52 = arith.truncf %mul3A_29 : vector<256x1024xf32> to vector<256x1024xbf16>
    %convert_element_type3A_53 = arith.extf %convert_element_type3A_52 : vector<256x1024xbf16> to vector<256x1024xf32>
    %sub3A_54 = arith.subf %mul3A_29, %convert_element_type3A_53 : vector<256x1024xf32>
    %convert_element_type3A_55 = arith.truncf %sub3A_54 : vector<256x1024xf32> to vector<256x1024xbf16>
    %dot_general3A_56 = arith.constant dense<0.000000e+00> : vector<256x2048xf32>
    %dot_general3A_57 = tpu.matmul %convert_element_type3A_48, %get3A_44, %dot_general3A_56 {dimension_numbers = #tpu.dot_dimension_numbers<[1], [0], [0], [1], [0, 0, 1, 1], [], []>, transpose_lhs_hint = false} : vector<256x1024xbf16>, vector<1024x2048xbf16>, vector<256x2048xf32> -> vector<256x2048xf32>
    %dot_general3A_58 = arith.constant dense<0.000000e+00> : vector<256x2048xf32>
    %dot_general3A_59 = tpu.matmul %convert_element_type3A_51, %get3A_44, %dot_general3A_58 {dimension_numbers = #tpu.dot_dimension_numbers<[1], [0], [0], [1], [0, 0, 1, 1], [], []>, transpose_lhs_hint = false} : vector<256x1024xbf16>, vector<1024x2048xbf16>, vector<256x2048xf32> -> vector<256x2048xf32>
    %add3A_60 = arith.addf %dot_general3A_57, %dot_general3A_59 : vector<256x2048xf32>
    %dot_general3A_61 = arith.constant dense<0.000000e+00> : vector<256x2048xf32>
    %dot_general3A_62 = tpu.matmul %convert_element_type3A_52, %get3A_47, %dot_general3A_61 {dimension_numbers = #tpu.dot_dimension_numbers<[1], [0], [0], [1], [0, 0, 1, 1], [], []>, transpose_lhs_hint = false} : vector<256x1024xbf16>, vector<1024x2048xbf16>, vector<256x2048xf32> -> vector<256x2048xf32>
    %add3A_63 = arith.addf %add3A_60, %dot_general3A_62 : vector<256x2048xf32>
    %dot_general3A_64 = arith.constant dense<0.000000e+00> : vector<256x2048xf32>
    %dot_general3A_65 = tpu.matmul %convert_element_type3A_55, %get3A_47, %dot_general3A_64 {dimension_numbers = #tpu.dot_dimension_numbers<[1], [0], [0], [1], [0, 0, 1, 1], [], []>, transpose_lhs_hint = false} : vector<256x1024xbf16>, vector<1024x2048xbf16>, vector<256x2048xf32> -> vector<256x2048xf32>
    %add3A_66 = arith.addf %add3A_63, %dot_general3A_65 : vector<256x2048xf32>
    %slice3A_67 = vector.extract_strided_slice %add3A_66 {offsets = [0, 0], sizes = [256, 1998], strides = [1, 1]} : vector<256x2048xf32> to vector<256x1998xf32>
    %swap3A_68 = arith.constant 0 : index
    %swap3A_69 = arith.constant 0 : index
    %swap3A_70 = vector.load %arg4[%swap3A_68, %swap3A_69] : memref<256x1998xf32, #tpu.memory_space<vmem>>, vector<256x1998xf32>
    tpu.vector_store %arg4[%swap3A_68, %swap3A_69], %slice3A_67 {strides = array<i32>} : memref<256x1998xf32, #tpu.memory_space<vmem>>, vector<256x1998xf32>,
    %convert_element_type3A_71 = arith.truncf %mul3A_40 : vector<256x1024xf32> to vector<256x1024xbf16>
    %convert_element_type3A_72 = arith.extf %convert_element_type3A_71 : vector<256x1024xbf16> to vector<256x1024xf32>
    %sub3A_73 = arith.subf %mul3A_40, %convert_element_type3A_72 : vector<256x1024xf32>
    %convert_element_type3A_74 = arith.truncf %sub3A_73 : vector<256x1024xf32> to vector<256x1024xbf16>
    %convert_element_type3A_75 = arith.truncf %mul3A_41 : vector<256x1024xf32> to vector<256x1024xbf16>
    %convert_element_type3A_76 = arith.extf %convert_element_type3A_75 : vector<256x1024xbf16> to vector<256x1024xf32>
    %sub3A_77 = arith.subf %mul3A_41, %convert_element_type3A_76 : vector<256x1024xf32>
    %convert_element_type3A_78 = arith.truncf %sub3A_77 : vector<256x1024xf32> to vector<256x1024xbf16>
    %dot_general3A_79 = arith.constant dense<0.000000e+00> : vector<256x2048xf32>
    %dot_general3A_80 = tpu.matmul %convert_element_type3A_71, %get3A_44, %dot_general3A_79 {dimension_numbers = #tpu.dot_dimension_numbers<[1], [0], [0], [1], [0, 0, 1, 1], [], []>, transpose_lhs_hint = false} : vector<256x1024xbf16>, vector<1024x2048xbf16>, vector<256x2048xf32> -> vector<256x2048xf32>
    %dot_general3A_81 = arith.constant dense<0.000000e+00> : vector<256x2048xf32>
    %dot_general3A_82 = tpu.matmul %convert_element_type3A_74, %get3A_44, %dot_general3A_81 {dimension_numbers = #tpu.dot_dimension_numbers<[1], [0], [0], [1], [0, 0, 1, 1], [], []>, transpose_lhs_hint = false} : vector<256x1024xbf16>, vector<1024x2048xbf16>, vector<256x2048xf32> -> vector<256x2048xf32>
    %add3A_83 = arith.addf %dot_general3A_80, %dot_general3A_82 : vector<256x2048xf32>
    %dot_general3A_84 = arith.constant dense<0.000000e+00> : vector<256x2048xf32>
    %dot_general3A_85 = tpu.matmul %convert_element_type3A_75, %get3A_47, %dot_general3A_84 {dimension_numbers = #tpu.dot_dimension_numbers<[1], [0], [0], [1], [0, 0, 1, 1], [], []>, transpose_lhs_hint = false} : vector<256x1024xbf16>, vector<1024x2048xbf16>, vector<256x2048xf32> -> vector<256x2048xf32>
    %add3A_86 = arith.addf %add3A_83, %dot_general3A_85 : vector<256x2048xf32>
    %dot_general3A_87 = arith.constant dense<0.000000e+00> : vector<256x2048xf32>
    %dot_general3A_88 = tpu.matmul %convert_element_type3A_78, %get3A_47, %dot_general3A_87 {dimension_numbers = #tpu.dot_dimension_numbers<[1], [0], [0], [1], [0, 0, 1, 1], [], []>, transpose_lhs_hint = false} : vector<256x1024xbf16>, vector<1024x2048xbf16>, vector<256x2048xf32> -> vector<256x2048xf32>
    %add3A_89 = arith.addf %add3A_86, %dot_general3A_88 : vector<256x2048xf32>
    %slice3A_90 = vector.extract_strided_slice %add3A_89 {offsets = [0, 0], sizes = [256, 1998], strides = [1, 1]} : vector<256x2048xf32> to vector<256x1998xf32>
    %swap3A_91 = arith.constant 0 : index
    %swap3A_92 = arith.constant 0 : index
    %swap3A_93 = vector.load %arg5[%swap3A_91, %swap3A_92] : memref<256x1998xf32, #tpu.memory_space<vmem>>, vector<256x1998xf32>
    tpu.vector_store %arg5[%swap3A_91, %swap3A_92], %slice3A_90 {strides = array<i32>} : memref<256x1998xf32, #tpu.memory_space<vmem>>, vector<256x1998xf32>,
    return
  }
  func.func @transform_0(%arg0: i32) -> (i32, i32) {
    %c0_i32 = arith.constant 0 : i32
    %c0_i32_0 = arith.constant 0 : i32
    return %arg0, %c0_i32 : i32, i32
  }
  func.func @transform_1(%arg0: i32) -> (i32, i32) {
    %c0_i32 = arith.constant 0 : i32
    %c0_i32_0 = arith.constant 0 : i32
    %c0_i32_1 = arith.constant 0 : i32
    return %c0_i32, %c0_i32_0 : i32, i32
  }
  func.func @transform_2(%arg0: i32) -> (i32, i32) {
    %c0_i32 = arith.constant 0 : i32
    %c0_i32_0 = arith.constant 0 : i32
    %c0_i32_1 = arith.constant 0 : i32
    return %c0_i32, %c0_i32_0 : i32, i32
  }
  func.func @transform_3(%arg0: i32) -> (i32, i32) {
    %c0_i32 = arith.constant 0 : i32
    %c0_i32_0 = arith.constant 0 : i32
    return %arg0, %c0_i32 : i32, i32
  }
  func.func @transform_4(%arg0: i32) -> (i32, i32) {
    %c0_i32 = arith.constant 0 : i32
    %c0_i32_0 = arith.constant 0 : i32
    return %arg0, %c0_i32 : i32, i32
  }
  func.func @transform_5(%arg0: i32) -> (i32, i32) {
    %c0_i32 = arith.constant 0 : i32
    %c0_i32_0 = arith.constant 0 : i32
    return %arg0, %c0_i32 : i32, i32
  }
}

</mosaic_0001>

<sc_bundles>
// kernel: kernel.4.cloned.1.call-start
scs
__scs_entry_jumppad:
0x0: {  	(pc) =	sbr.rel $0x88, $3  }
0x1: {  	(tag) =	ssettag $0x0;
	lr =	simm.s32 $0x1  }
0x2: {  	[smem:$0x3F9E] =	sst lr;
	_ =	strace $0xD0000000  }
0x3: {  	_ = 	snop  }
0x4: {  	_ = 	snop  }
0x5: {  	_ = 	snop  }
0x6: {  	_ = 	snop  }
0x7: {  	_ = 	snop  }
__scs_overlays_trampoline_lowered:
0x8: {  	[smem:$0x3FAD] =	sst s0  }
0x9: {  	[smem:$0x3FAE] =	sst s1  }
0xa: {  	[smem:$0x3FAF] =	sst s2  }
0xb: {  	[smem:$0x3FB0] =	sst s3  }
0xc: {  	[smem:$0x3FB1] =	sst s4  }
0xd: {  	[smem:$0x3FB2] =	sst s5  }
0xe: {  	[smem:$0x3FB3] =	sst s6  }
0xf: {  	[smem:$0x3FB4] =	sst s7  }
0x10: {  	[smem:$0x3FB5] =	sst s8  }
0x11: {  	[smem:$0x3FB6] =	sst s9;
	s0 =	simm.s32 @!p0 $0x0  }
0x12: {  	s1 =	sld [smem:$0x3F9C];
	s0 =	simm.s32 @p0 $0x1  }
0x13: {  	[smem:$0x3FB7] =	sst s0;
	s0 =	simm.s32 @!p1 $0x0  }
0x14: {  	s2 =	sld [smem:$0x3F9B];
	s0 =	simm.s32 @p1 $0x1  }
0x15: {  	[smem:$0x3FB8] =	sst s0;
	s0 =	simm.s32 @!p2 $0x0  }
0x16: {  	s3 =	sld [smem:$0x3FDB];
	s0 =	simm.s32 @p2 $0x1  }
0x17: {  	s4 =	simm.s32 $0x1BF5;
	[smem:$0x3FBA] =	sst s0  }
0x18: {  	s0 =	sld [smem:$0x3F9D];
	_ =	swait.ge [sflag:s4], $0x0  }
0x19: {  	s7 =	sld [smem:$0x3F9E]  }
0x1a: {  	s8 =	sadd.s32 $0xFFFFE003, lr  }
0x1b: {  	s9 =	sadd.s32 $0xFFFFFEF7, lr;
	s5 =	simm.s32 $0xFFFFFFFF;
	p2 =	slt.u32 s8, $0xFFFFF086  }
0x1c: {  	p1 =	slt.u32 s9, $0xF7A;
	s5 =	simm.s32 @!p2 $0x0  }
0x1d: {  	s5 =	simm.s32 @p1 $0x1;
	p0 =	seq.s32 s7, s2  }
0x1e: {  	s7 =	smul.u32 @!p0 $0xF7A, s2;
	p2 =	seq.s32 @!p0 s5, $0x0  }
0x1f: {  	s9 =	smul.u32 $0xF7A, s1;
	s8 =	simm.s32 @!p0 $0x1BF5;
	p2 =	por !p2, p0  }
0x20: {  	[sflag:s8] =	ssyncset.s32 @!p0 $0xFFFFF086;
	s6 =	sadd.s32 @!p0 s3, s7;
	s7 =	simm.s32 @!p0 $0x108  }
0x21: {  	s3 =	sadd.s32 s3, s9;
	s6 =	sadd.s32 @!p0 $0x88, s6;
	s7 =	simm.s32 @p2 $0x1082  }
0x22: {  	[simem:s7], [sflag:s8] =	dma.local @!p0 [hbm:s6], $0xF7A  }
0x23: {  	s9 =	sor.u32 $0xD0000000, s2;
	s6 =	simm.s32 $0x108;
	_ =	swait.ge @!p0 [sflag:s8], $0x0  }
0x24: {  	s3 =	sadd.s32 $0x88, s3;
	s6 =	simm.s32 @!p1 $0x1082;
	[sflag:s4] =	ssyncset.s32 $0xFFFFF086  }
0x25: {  	[simem:s6], [sflag:s4] =	dma.local [hbm:s3], $0xF7A  }
0x26: {  	[smem:$0x3F9E] =	sst s1;
	(tag) =	ssettag s2;
	_ =	strace s9  }
0x27: {  	s1 =	sld [smem:$0x3FAE]  }
0x28: {  	s2 =	sld [smem:$0x3FAF]  }
0x29: {  	s4 =	sld [smem:$0x3FB1]  }
0x2a: {  	p0 =	seq.s32 s5, $0x0;
	s5 =	sld [smem:$0x3FB2]  }
0x2b: {  	s6 =	sld [smem:$0x3FB3]  }
0x2c: {  	s7 =	sld [smem:$0x3FB4]  }
0x2d: {  	s3 =	simm.s32 $0x108;
	s8 =	sld [smem:$0x3FB5]  }
0x2e: {  	s3 =	simm.s32 @!p0 $0x1082;
	s9 =	sld [smem:$0x3FB6]  }
0x2f: {  	lr =	sadd.s32 s0, s3;
	s0 =	sld [smem:$0x3FAD]  }
0x30: {  	s3 =	sld [smem:$0x3FB0]  }
0x31: {  	[smem:$0x3FB9] =	sst s10  }
0x32: {  	s10 =	sld [smem:$0x3FB7];
	_ =	sdelay $0x3  }
0x33: {  	p0 =	seq.s32 s10, $0x1;
	s10 =	sld [smem:$0x3FB9];
	_ =	sdelay $0x3  }
0x34: {  	[smem:$0x3FB9] =	sst s10  }
0x35: {  	s10 =	sld [smem:$0x3FB8];
	_ =	sdelay $0x3  }
0x36: {  	p1 =	seq.s32 s10, $0x1;
	s10 =	sld [smem:$0x3FB9];
	_ =	sdelay $0x3  }
0x37: {  	[smem:$0x3FB9] =	sst s10  }
0x38: {  	s10 =	sld [smem:$0x3FBA]  }
0x39: {  	_ = 	snop;
	(pc) =	sbr.ind lr, $3  }
0x3a: {  	_ = 	snop  }
0x3b: {  	_ = 	snop  }
0x3c: {  	p2 =	seq.s32 s10, $0x1;
	s10 =	sld [smem:$0x3FB9]  }
0x3d: {  	_ =	shalt  }
0x3e: {  	_ =	shalt  }
0x3f: {  	_ =	shalt  }
0x40: {  	_ =	shalt  }
0x41: {  	_ =	shalt  }
0x42: {  	_ =	shalt  }
0x43: {  	_ =	shalt  }
0x44: {  	_ =	shalt  }
0x45: {  	_ =	shalt  }
0x46: {  	_ =	shalt  }
0x47: {  	_ =	shalt  }
0x48: {  	_ =	shalt  }
0x49: {  	_ =	shalt  }
0x4a: {  	_ =	shalt  }
0x4b: {  	_ =	shalt  }
0x4c: {  	_ =	shalt  }
0x4d: {  	_ =	shalt  }
0x4e: {  	_ =	shalt  }
0x4f: {  	_ =	shalt  }
0x50: {  	_ =	shalt  }
0x51: {  	_ =	shalt  }
0x52: {  	_ =	shalt  }
0x53: {  	_ =	shalt  }
0x54: {  	_ =	shalt  }
0x55: {  	_ =	shalt  }
0x56: {  	_ =	shalt  }
0x57: {  	_ =	shalt  }
0x58: {  	_ =	shalt  }
0x59: {  	_ =	shalt  }
0x5a: {  	_ =	shalt  }
0x5b: {  	_ =	shalt  }
0x5c: {  	_ =	shalt  }
0x5d: {  	_ =	shalt  }
0x5e: {  	_ =	shalt  }
0x5f: {  	_ =	shalt  }
0x60: {  	_ =	shalt  }
0x61: {  	_ =	shalt  }
0x62: {  	_ =	shalt  }
0x63: {  	_ =	shalt  }
0x64: {  	_ =	shalt  }
0x65: {  	_ =	shalt  }
0x66: {  	_ =	shalt  }
0x67: {  	_ =	shalt  }
0x68: {  	_ =	shalt  }
0x69: {  	_ =	shalt  }
0x6a: {  	_ =	shalt  }
0x6b: {  	_ =	shalt  }
0x6c: {  	_ =	shalt  }
0x6d: {  	_ =	shalt  }
0x6e: {  	_ =	shalt  }
0x6f: {  	_ =	shalt  }
0x70: {  	_ =	shalt  }
0x71: {  	_ =	shalt  }
0x72: {  	_ =	shalt  }
0x73: {  	_ =	shalt  }
0x74: {  	_ =	shalt  }
0x75: {  	_ =	shalt  }
0x76: {  	_ =	shalt  }
0x77: {  	_ =	shalt  }
0x78: {  	_ =	shalt  }
0x79: {  	_ =	shalt  }
0x7a: {  	_ =	shalt  }
0x7b: {  	_ =	shalt  }
0x7c: {  	_ =	shalt  }
0x7d: {  	_ =	shalt  }
0x7e: {  	_ =	shalt  }
0x7f: {  	_ =	shalt  }
0x80: {  	_ =	shalt  }
0x81: {  	_ =	shalt  }
0x82: {  	_ =	shalt  }
0x83: {  	_ =	shalt  }
0x84: {  	_ =	shalt  }
0x85: {  	_ =	shalt  }
0x86: {  	_ =	shalt  }
0x87: {  	_ =	shalt  }
.Lfunc_end0:
.L_simem_size_0:
called_computation_lowered:
.L_overlay_start_0:
0x88: {  	s2 =	sld [smem:$0x3FD9]  }
0x89: {  	s3 =	sld [smem:$0x3FFE];
	_ =	sdelay $0x1  }
0x8a: {  	s1 =	srdreg.scid  }
0x8b: {  	s0 =	sand.u32 $0x1, s1  }
0x8c: {  	s14 =	sshll.u32 s0, $0xA;
	s2 =	sadd.s32 s3, s2  }
0x8d: {  	s2 =	sadd.s32 s2, s14  }
0x8e: {  	[smem:$0x3FC5] =	sst s2  }
0x8f: {  	_ = 	snop  }
0x90: {  	s2 =	sld [smem:$0x3FD0];
	_ =	sdelay $0x1  }
0x91: {  	s15 =	sld [smem:$0x3FC8]  }
0x92: {  	s5 =	simm.s32 $0xA;
	s6 =	simm.s32 $0x10;
	s4 =	sld [smem:$0x3FC7]  }
0x93: {  	[smem:s6], [sflag:s5] =	dma.local [hbm:s2], $0x1  }
0x94: {  	_ =	swait.eq [sflag:s5], $0x1  }
0x95: {  	[sflag:s5] =	ssyncset.done $0x0  }
0x96: {  	[sflag:s5] =	ssyncadd.s32 $0xFFFFFFFF  }
0x97: {  	s16 =	sld [smem:$0x10];
	(tm) =	ssettm $0x1  }
0x98: {  	s17 =	sld [smem:$0x3FFB];
	_ =	sdelay $0x3  }
0x99: {  	_ =	strace s17  }
0x9a: {  	s5 =	sld [smem:$0x3FFC];
	_ =	sdelay $0x3  }
0x9b: {  	_ =	strace s5  }
0x9c: {  	s5 =	sld [smem:$0x3FFD];
	_ =	sdelay $0x3  }
0x9d: {  	_ =	strace s5  }
0x9e: {  	_ =	strace $0x8FFFFFFF  }
0x9f: {  	s18 =	sld [smem:$0x3FDB];
	_ =	sdelay $0x1  }
0xa0: {  	s19 =	simm.s32 $_scs_section_size  }
0xa1: {  	s7 =	simm.s32 $_size__tile_overlayer_lowered;
	s8 =	simm.s32 $_tile_overlayer_lowered  }
0xa2: {  	s22 =	simm.s32 $0x1BFF;
	s21 =	sshll.u32 s8, $0x1;
	s5 =	sadd.s32 s19, s18  }
0xa3: {  	s9 =	simm.s32 $0x0;
	s20 =	sshll.u32 s7, $0x1;
	s7 =	sadd.s32 s21, s5  }
0xa4: {  	[timem:s9], [sflag:s22] =	dma.local [hbm:s7], s20  }
0xa5: {  	_ =	swait.ge [sflag:s22], s20  }
0xa6: {  	s6 =	ssub.s32 $0x0, s20;
	[sflag:s22] =	ssyncset.done $0x0  }
0xa7: {  	[sflag:s22] =	ssyncadd.s32 s6;
	_ =	sdelay $0x1  }
0xa8: {  	s23 =	simm.s32 $0x1B8B  }
0xa9: {  	_ =	swait.ge [sflag:s23], $0x1  }
0xaa: {  	[sflag:s23] =	ssyncset.done $0x0  }
0xab: {  	s25 =	simm.s32 $0x1B8E;
	s24 =	sld [smem:$0x3FFE];
	[sflag:s23] =	ssyncadd.s32 $0xFFFFFFFF  }
0xac: {  	s26 =	simm.s32 $execute0_lowered;
	[smem:$0x3FD2] =	sst s25  }
0xad: {  	s7 =	sshll.u32 s26, $0x1;
	_ =	strace $0x80000046;
	[dreg:$0x1] =	wrdreg $0xFFFFFFFF  }
0xae: {  	s28 =	simm.s32 $_size_execute0_lowered;
	s5 =	sadd.s32 s5, s7;
	[dreg:$0x0] =	wrdreg $0x0  }
0xaf: {  	s7 =	sshll.u32 s28, $0x1;
	[dreg:$0x2] =	wrdreg s5  }
0xb0: {  	[dreg:$0x3] =	wrdreg s7  }
0xb1: {  	[dreg:$0x4] =	wrdreg $0xC0  }
0xb2: {  	_ =	task [dreg:s9], $0x5FFFF  }
0xb3: {  	[dreg:$0x1] =	wrdreg $0xFFFFFFFF  }
0xb4: {  	[dreg:$0x0] =	wrdreg $0x60  }
0xb5: {  	[dreg:$0x2] =	wrdreg s15  }
0xb6: {  	[dreg:$0x3] =	wrdreg s4  }
0xb7: {  	[dreg:$0x4] =	wrdreg s16  }
0xb8: {  	[dreg:$0x5] =	wrdreg s24  }
0xb9: {  	[dreg:$0x6] =	wrdreg $0x9  }
0xba: {  	_ =	task.clear_ibuf [dreg:s9], $0x7FFFF;
	_ =	strace $0x90000046  }
0xbb: {  	s29 =	simm.s32 $0x9;
	_ =	strace $0x80000048  }
0xbc: {  	_ =	swait.ge [sflag:s29], $0x1  }
0xbd: {  	[sflag:s29] =	ssyncadd.s32 $0xFFFFFFFF  }
0xbe: {  	_ =	strace $0x90000048  }
0xbf: {  	_ =	sfence  }
0xc0: {  	s30 =	sld [smem:$0x0];
	_ =	sdelay $0x2  }
0xc1: {  	s31 =	sshll.u32 s1, $0xD;
	s1 =	sshrl.u32 s1, $0x2  }
0xc2: {  	s3 =	sand.u32 $0x4000, s31;
	s1 =	sadd.s32 s1, s30  }
0xc3: {  	s0 =	sor.u32 s3, s0;
	s1 =	sshll.u32 s1, $0x11  }
0xc4: {  	s0 =	sor.u32 s1, s0  }
0xc5: {  	s0 =	sadd.s32 $0x8F2B, s0  }
0xc6: {  	[sflag:s0] =	ssyncadd.remote.s32 $0x1  }
0xc7: {  	_ =	sfence.sel $0xFFFF  }
0xc8: {  	[dreg:$0x0] =	wrdreg $0xFFFFFFFF;
	(pc) =	sbr.abs _section_cstart, $3  }
0xc9: {  	[dreg:$0x1] =	wrdreg $0xFFFFFFFF  }
0xca: {  	_ =	task.clear_ibuf [dreg:s9], $0x2FFFF;
	_ =	strace $0x9FFFFFFF  }
0xcb: {  	(tm) =	ssettm $0x7FFFFFFF  }
tec
execute0_lowered:
.L_overlay_start_1:
0x0: {  	(tag) =	ssettag $0x1  }
0x1: {  	s1 =	rddreg [dreg:$0x0]  }
0x2: {  	s2 =	rddreg [dreg:$0x1]  }
0x3: {  	s5 =	rddreg [dreg:$0x2];
	s0 =	srdreg.scid  }
0x4: {  	s6 =	rddreg [dreg:$0x3];
	s3 =	stileid.u32  }
0x5: {  	s4 =	simm.s32 $0x0;
	s11 =	simm.s32 $0x8000;
	s7 =	sand.u32 $0x1, s0  }
0x6: {  	s12 =	simm.s32 $0x0;
	s0 =	rddreg [dreg:$0x4];
	s8 =	sshll.u32 s7, $0x4  }
0x7: {  	[smem:$0x7FF] =	sst s4;
	s7 =	ssub.s32 $0x2, s7;
	s8 =	sor.u32 s3, s8  }
0x8: {  	_ =	strace $0x80000047;
	s10 =	sshrl.u32 s7, $0x1;
	s9 =	sshll.u32 s8, $0xC  }
0x9: {  	s7 =	ssub.s32 s7, s10;
	s8 =	sshll.u32 s8, $0x5;
	s10 =	simm.s32 $0x12780  }
0xa: {  	v1 =	vimm.f32 $0.0e+00;
	v2 =	vimm.f32 $1.000000000e+00;
	s6 =	sadd.s32 s9, s6;
	s5 =	sadd.s32 s5, s9;
	s7 =	smax.u32 s7, $0x1  }
0xb: {  	v3 =	vimm.s32 $0x0;
	vm0 =	vmxor vm0, vm0;
	v0 =	vmov s8;
	s8 =	simm.s32 $0x10000;
	s9 =	simm.s32 $0x1;
	s6 =	sadd.s32 $0xA00, s6  }
.LBB2_1:
0xc: {  	[tilespmem:s8], [sflag:$0x1] =	stream.linear.gather [hbm4b:s1+s4], $0x2710, $0x38;
	[tilespmem:$0x14F00] =	vst v63  }
0xd: {  	_ =	swait.ge [sflag:s9], $0x2710  }
0xe: {  	[sflag:s9] =	ssyncset.done $0x0  }
0xf: {  	[sflag:s9] =	ssyncadd.s32 $0xFFFFD8F0  }
0x10: {  	[tilespmem:s10], [sflag:$0x1] =	stream.linear.gather [hbm4b:s2+s4], $0x2710, $0x38;
	[tilespmem:$0x14F00] =	vst v63  }
0x11: {  	_ =	swait.ge [sflag:s9], $0x2710  }
0x12: {  	[sflag:s9] =	ssyncset.done $0x0  }
0x13: {  	s13 =	simm.s32 $0x40;
	[sflag:s9] =	ssyncadd.s32 $0xFFFFD8F0  }
0x14: {  	s16 =	simm.s32 $0x8040;
	[tilespmem:s13+$0xFFFFFFC0] =	vst v1  }
0x15: {  	[tilespmem:s16+$0xFFFFFFC0] =	vst v1  }
0x16: {  	[tilespmem:s13+$0xFFFFFFD0] =	vst v1  }
0x17: {  	[tilespmem:s16+$0xFFFFFFD0] =	vst v1  }
0x18: {  	[tilespmem:s13+$0xFFFFFFE0] =	vst v1  }
0x19: {  	[tilespmem:s16+$0xFFFFFFE0] =	vst v1  }
0x1a: {  	[tilespmem:s13+$0xFFFFFFF0] =	vst v1  }
0x1b: {  	[tilespmem:s16+$0xFFFFFFF0] =	vst v1  }
0x1c: {  	[tilespmem:s13+$0x0] =	vst v1  }
0x1d: {  	[tilespmem:s16+$0x0] =	vst v1  }
0x1e: {  	[tilespmem:s13+$0x10] =	vst v1  }
0x1f: {  	[tilespmem:s16+$0x10] =	vst v1  }
0x20: {  	[tilespmem:s13+$0x20] =	vst v1  }
0x21: {  	[tilespmem:s16+$0x20] =	vst v1  }
0x22: {  	s17 =	simm.s32 $0x0;
	s14 =	simm.s32 $0x127A0;
	[tilespmem:s13+$0x30] =	vst v1  }
0x23: {  	s18 =	simm.s32 $0xC0;
	s15 =	simm.s32 $0xFFFFFFFC;
	s13 =	simm.s32 $0x10020;
	[tilespmem:s16+$0x30] =	vst v1  }
.LBB2_2:
0x24: {  	[tilespmem:s18+$0xFFFFFFC0] =	vst v1;
	s16 =	sadd.s32 $0x80, s16  }
0x25: {  	[tilespmem:s16+$0xFFFFFFC0] =	vst v1  }
0x26: {  	[tilespmem:s18+$0xFFFFFFD0] =	vst v1  }
0x27: {  	[tilespmem:s16+$0xFFFFFFD0] =	vst v1  }
0x28: {  	[tilespmem:s18+$0xFFFFFFE0] =	vst v1  }
0x29: {  	[tilespmem:s16+$0xFFFFFFE0] =	vst v1  }
0x2a: {  	[tilespmem:s18+$0xFFFFFFF0] =	vst v1  }
0x2b: {  	[tilespmem:s16+$0xFFFFFFF0] =	vst v1  }
0x2c: {  	[tilespmem:s18+$0x0] =	vst v1  }
0x2d: {  	s17 =	sadd.s32 $0x8, s17;
	[tilespmem:s16+$0x0] =	vst v1  }
0x2e: {  	p0 =	slt.u32 s17, $0x7F8;
	[tilespmem:s18+$0x10] =	vst v1  }
.Ltmp0:
0x2f: {  	[tilespmem:s16+$0x10] =	vst v1;
	(pc) =	sbr.rel @p0 .LBB2_2-.Ltmp0, $4  }
0x30: {  	[tilespmem:s18+$0x20] =	vst v1  }
0x31: {  	[tilespmem:s16+$0x20] =	vst v1  }
0x32: {  	[tilespmem:s18+$0x30] =	vst v1  }
0x33: {  	s18 =	sadd.s32 $0x80, s18;
	[tilespmem:s16+$0x30] =	vst v1  }
.LBB2_3:
0x34: {  	v5 =	vld [tilespmem:s14+$0xFFFFFFE0]  }
0x35: {  	v4 =	vld [tilespmem:s13+$0xFFFFFFE0];
	_ =	sdelay $0x3  }
0x36: {  	v6 =	vand.u32 $0x1, v5  }
0x37: {  	v4 =	vsub.s32 v4, v0;
	v5 =	vshra.s32 v5, $0x1;
	vm2 =	veq.s32 v6, $0x1  }
0x38: {  	vm1 =	vlt.u32 v4, $0x20;
	v4 =	vshll.u32 v4, $0xA;
	vm3 =	vmneg vm2  }
0x39: {  	v4 =	vadd.s32 v5, v4;
	vm3 =	vmand vm1, vm3  }
0x3a: {  	vm1 =	vmand vm1, vm2;
	v5 =	vnsel vm3, $0x0, v4  }
0x3b: {  	v4 =	vnsel vm1, $0x0, v4;
	_ =	sdelay $0x3  }
0x3c: {  	[tilespmem:v5+s4+$0x0] =	vst.idx.add.f32.msk vm3, v2  }
0x3d: {  	[tilespmem:v4+s11+$0x0] =	vst.idx.add.f32.msk vm1, v2  }
0x3e: {  	v5 =	vld [tilespmem:s14+$0xFFFFFFF0]  }
0x3f: {  	v4 =	vld [tilespmem:s13+$0xFFFFFFF0];
	_ =	sdelay $0x3  }
0x40: {  	v61 =	vand.u32 $0x1, v5  }
0x41: {  	v4 =	vsub.s32 v4, v0;
	v5 =	vshra.s32 v5, $0x1;
	vm2 =	veq.s32 v61, $0x1  }
0x42: {  	vm1 =	vlt.u32 v4, $0x20;
	v4 =	vshll.u32 v4, $0xA;
	vm3 =	vmneg vm2  }
0x43: {  	v4 =	vadd.s32 v5, v4;
	vm3 =	vmand vm1, vm3  }
0x44: {  	vm1 =	vmand vm1, vm2;
	v5 =	vnsel vm3, $0x0, v4  }
0x45: {  	v4 =	vnsel vm1, $0x0, v4;
	_ =	sdelay $0x3  }
0x46: {  	[tilespmem:v5+s4+$0x0] =	vst.idx.add.f32.msk vm3, v2  }
0x47: {  	[tilespmem:v4+s11+$0x0] =	vst.idx.add.f32.msk vm1, v2  }
0x48: {  	v5 =	vld [tilespmem:s14+$0x0]  }
0x49: {  	v4 =	vld [tilespmem:s13+$0x0];
	_ =	sdelay $0x3  }
0x4a: {  	v62 =	vand.u32 $0x1, v5  }
0x4b: {  	v4 =	vsub.s32 v4, v0;
	v5 =	vshra.s32 v5, $0x1;
	vm2 =	veq.s32 v62, $0x1  }
0x4c: {  	vm1 =	vlt.u32 v4, $0x20;
	v4 =	vshll.u32 v4, $0xA;
	vm3 =	vmneg vm2  }
0x4d: {  	v4 =	vadd.s32 v5, v4;
	vm3 =	vmand vm1, vm3  }
0x4e: {  	vm1 =	vmand vm1, vm2;
	v5 =	vnsel vm3, $0x0, v4  }
0x4f: {  	v4 =	vnsel vm1, $0x0, v4;
	_ =	sdelay $0x3  }
0x50: {  	[tilespmem:v5+s4+$0x0] =	vst.idx.add.f32.msk vm3, v2  }
0x51: {  	[tilespmem:v4+s11+$0x0] =	vst.idx.add.f32.msk vm1, v2  }
0x52: {  	v5 =	vld [tilespmem:s14+$0x10]  }
0x53: {  	v4 =	vld [tilespmem:s13+$0x10];
	_ =	sdelay $0x3  }
0x54: {  	v63 =	vand.u32 $0x1, v5  }
0x55: {  	v4 =	vsub.s32 v4, v0;
	v5 =	vshra.s32 v5, $0x1;
	vm2 =	veq.s32 v63, $0x1  }
0x56: {  	vm1 =	vlt.u32 v4, $0x20;
	v4 =	vshll.u32 v4, $0xA;
	vm3 =	vmneg vm2  }
0x57: {  	v4 =	vadd.s32 v5, v4;
	vm3 =	vmand vm1, vm3  }
0x58: {  	s15 =	sadd.s32 $0x4, s15;
	vm1 =	vmand vm1, vm2;
	v5 =	vnsel vm3, $0x0, v4  }
0x59: {  	p0 =	slt.u32 s15, $0x26C;
	v4 =	vnsel vm1, $0x0, v4  }
.Ltmp1:
0x5a: {  	_ = 	snop;
	(pc) =	sbr.rel @p0 .LBB2_3-.Ltmp1, $3  }
0x5b: {  	_ =	sdelay $0x1  }
0x5c: {  	[tilespmem:v5+s4+$0x0] =	vst.idx.add.f32.msk vm3, v2  }
0x5d: {  	s13 =	sadd.s32 $0x40, s13;
	s14 =	sadd.s32 $0x40, s14;
	[tilespmem:v4+s11+$0x0] =	vst.idx.add.f32.msk vm1, v2  }
0x5e: {  	v5 =	vld [tilespmem:$0x14E80]  }
0x5f: {  	v4 =	vld [tilespmem:$0x12700];
	_ =	sdelay $0x3  }
0x60: {  	v6 =	vand.u32 $0x1, v5  }
0x61: {  	v4 =	vsub.s32 v4, v0;
	v5 =	vshra.s32 v5, $0x1;
	vm2 =	veq.s32 v6, $0x1  }
0x62: {  	vm1 =	vlt.u32 v4, $0x20;
	v4 =	vshll.u32 v4, $0xA;
	vm3 =	vmneg vm2  }
0x63: {  	v4 =	vadd.s32 v5, v4;
	vm3 =	vmand vm1, vm3  }
0x64: {  	vm1 =	vmand vm1, vm2;
	v5 =	vnsel vm3, $0x0, v4  }
0x65: {  	v4 =	vnsel vm1, $0x0, v4;
	_ =	sdelay $0x3  }
0x66: {  	[tilespmem:v5+s4+$0x0] =	vst.idx.add.f32.msk vm3, v2  }
0x67: {  	[tilespmem:v4+s11+$0x0] =	vst.idx.add.f32.msk vm1, v2  }
0x68: {  	[tilespmem:v3+s4+$0x0] =	vst.idx.add.f32.msk vm0, v2  }
0x69: {  	[tilespmem:v3+s11+$0x0] =	vst.idx.add.f32.msk vm0, v2  }
0x6a: {  	[hbm4b:s5+s4] =	stream.linear.scatter [tilespmem:s4], [sflag:$0x1], $0x8000, $0x38;
	[tilespmem:$0x14F00] =	vst v63  }
0x6b: {  	s12 =	sadd.s32 $0x1, s12;
	_ =	swait.ge [sflag:s9], $0x8000  }
0x6c: {  	p0 =	sne.s32 s12, s7;
	[sflag:s9] =	ssyncset.done $0x0  }
.Ltmp2:
0x6d: {  	[sflag:s9] =	ssyncadd.s32 $0xFFFF8000;
	(pc) =	sbr.rel @p0 .LBB2_1-.Ltmp2, $4  }
0x6e: {  	[hbm4b:s6+s4] =	stream.linear.scatter [tilespmem:s11], [sflag:$0x1], $0x8000, $0x38;
	[tilespmem:$0x14F00] =	vst v63  }
0x6f: {  	_ =	swait.ge [sflag:s9], $0x8000  }
0x70: {  	[sflag:s9] =	ssyncset.done $0x0  }
0x71: {  	[sflag:s9] =	ssyncadd.s32 $0xFFFF8000  }
0x72: {  	_ =	sfence.sel $0x180000  }
0x73: {  	[bflag:$0x0] =	sbarrier.arrive $0xFFFF  }
0x74: {  	p0 =	sne.s32 s3, $0x0;
	_ =	strace $0x90000047  }
0x75: {  	s0 =	sadd.s32 @!p0 $0x100000, s0;
	[bflag:$0x2] =	sbarrier.arrive $0xFFFF  }
0x76: {  	[sflag:s0] =	ssyncadd.tile.s32 @!p0 $0x1;
	_ =	shalt  }
.Lfunc_end2:
_tile_overlayer_lowered:
.L_overlay_start_2:
0x77: {  	(tag) =	ssettag $0x2  }
0x78: {  	s0 =	rddreg [dreg:$0x0];
	s2 =	stileid.u32  }
0x79: {  	s1 =	rddreg [dreg:$0x1];
	p0 =	sne.s32 s2, $0x0  }
0x7a: {  	s3 =	rddreg [dreg:$0x2];
	[bflag:$0x3] =	sbarrier.arrive $0xFFFF;
	s2 =	simm.s32 @!p0 $0x1C01  }
0x7b: {  	[timem:s3], [sflag:s2] =	dma.local @!p0 [hbm:s0], s1  }
0x7c: {  	s0 =	simm.s32 @!p0 $0x1  }
0x7d: {  	_ =	swait.ge @!p0 [sflag:s0], s1  }
0x7e: {  	s1 =	ssub.s32 @!p0 $0x0, s1;
	[sflag:s0] =	ssyncset.done @!p0 $0x0  }
0x7f: {  	[sflag:s0] =	ssyncadd.s32 @!p0 s1  }
0x80: {  	[bflag:$0x3] =	sbarrier.arrive $0xFFFF  }
0x81: {  	_ =	shalt  }

</sc_bundles>
